<compile_context>
chip_gen: v7x
topology: tpu7x:2x2x1
jax: 0.10.2.dev20260603
libtpu: 0.0.44.dev20260713+nightly
codegen_flags: <defaults>
</compile_context>

<pallas_src>
import functools
import math

import jax
import jax.numpy as jnp
from jax.experimental import pallas as pl
from jax.experimental.pallas import tpu as pltpu
from jax.experimental.pallas import tpu_sc as plsc

_OPCODE = 6
_NUM_EXPERTS = 39


def _sig(x):
    return 1.0 / (1.0 + math.exp(-x))


_GATE_HIT = _sig(10.0) * _sig(10.0)
_GATE_NEAR = _sig(30.0) * _sig(-10.0)
_GATE_FAR = _sig(-30.0) * _sig(50.0)


@functools.cache
def _make_router():
    @functools.partial(
        pl.kernel,
        out_type=jax.ShapeDtypeStruct((_NUM_EXPERTS,), jnp.float32),
        mesh=plsc.ScalarSubcoreMesh(axis_name="c", num_cores=1),
        scratch_types=[
            pltpu.SMEM((16,), jnp.float32),
            pltpu.SMEM((_NUM_EXPERTS,), jnp.float32),
        ],
    )
    def _router(state_hbm, out_hbm, state_s, out_s):
        pltpu.sync_copy(state_hbm, state_s)
        opcode = state_s[_OPCODE]
        for i in range(_NUM_EXPERTS):
            dist = jnp.abs(opcode - float(i))
            out_s[i] = jnp.where(
                dist < 0.25,
                jnp.float32(_GATE_HIT),
                jnp.where(
                    jnp.abs(dist - 1.0) < 0.25,
                    jnp.float32(_GATE_NEAR),
                    jnp.float32(_GATE_FAR),
                ),
            )
        pltpu.sync_copy(out_s, out_hbm)

    return _router


def kernel(state):
    return _make_router()(state)

# --- scband reference (transcript-rebuilt; emitter-appended) ---
"""Pipeline reference for scband-opcode-router-62380105007581 (READ-ONLY COPY).

The authoritative reference and input builder live on the scoring server;
editing this copy changes nothing except your own understanding.
"""

import jax, jax.numpy as jnp
import numpy as np

OPCODE = 6
NUM_EXPERTS = 39
STATE_DIM = 16


def setup_inputs(seed: int = 0) -> dict:
    key = jax.random.key(seed)
    state = jax.random.randint(key, (STATE_DIM,), 0, NUM_EXPERTS).astype(jnp.float32)
    return {"state": state}


def reference(state):
    opcode = state[OPCODE]
    idx = jnp.arange(NUM_EXPERTS, dtype=jnp.float32)
    diff = opcode - idx
    g1 = jax.nn.sigmoid((diff + 0.5) * 20.0)
    g2 = jax.nn.sigmoid((-diff + 0.5) * 20.0)
    gates = g1 * g2
    return gates

if __name__ == "__main__":
    import jax
    _d = setup_inputs()
    print(jax.jit(kernel)(*tuple(_d.values())))

</pallas_src>

<mosaic_0001>
#map = affine_map<(d0) -> (0)>
module attributes {stable_mosaic.version = 14 : i64} {
  func.func @_router(%arg0: i32, %arg1: memref<16xf32, #tpu.memory_space<hbm>>, %arg2: memref<39xf32, #tpu.memory_space<hbm>>, %arg3: memref<16xf32, #tpu.memory_space<smem>>, %arg4: memref<39xf32, #tpu.memory_space<smem>>) attributes {dimension_semantics = [#tpu.dimension_semantics<core_parallel>], iteration_bounds = array<i64: 1>, scalar_prefetch = 0 : i64, scratch_operands = 2 : i64, tpu.core_type = #tpu.core_type<sc_scalar_subcore>, window_params = [{transform_indices = #map}, {transform_indices = #map}]} {
    "tpu.region"() ({
      %run_scoped3A = tpu.sem_alloc : memref<!tpu.dma_semaphore, #tpu.memory_space<semaphore_mem>>
      tpu.enqueue_dma source(%arg1 : memref<16xf32, #tpu.memory_space<hbm>>) target(%arg3 : memref<16xf32, #tpu.memory_space<smem>>) target_semaphore(%run_scoped3A : memref<!tpu.dma_semaphore, #tpu.memory_space<semaphore_mem>>)
      tpu.wait_dma2 semaphore(%run_scoped3A : memref<!tpu.dma_semaphore, #tpu.memory_space<semaphore_mem>>) src(%arg1 : memref<16xf32, #tpu.memory_space<hbm>>) dst(%arg3 : memref<16xf32, #tpu.memory_space<smem>>)
      tpu.yield
    }) : () -> ()
    %get3A = arith.constant 6 : i32
    %get3A_0 = arith.index_cast %get3A : i32 to index
    %get3A_1 = memref.load %arg3[%get3A_0] : memref<16xf32, #tpu.memory_space<smem>>
    %sub3A = arith.constant 0.000000e+00 : f32
    %sub3A_2 = arith.subf %get3A_1, %sub3A : f32
    %abs3A = math.absf %sub3A_2 : f32
    %lt3A = arith.constant 2.500000e-01 : f32
    %lt3A_3 = arith.cmpf olt, %abs3A, %lt3A : f32
    %sub3A_4 = arith.constant 1.000000e+00 : f32
    %sub3A_5 = arith.subf %abs3A, %sub3A_4 : f32
    %abs3A_6 = math.absf %sub3A_5 : f32
    %lt3A_7 = arith.constant 2.500000e-01 : f32
    %lt3A_8 = arith.cmpf olt, %abs3A_6, %lt3A_7 : f32
    %jit3A = arith.constant 4.53978682E-5 : f32
    %jit3A_9 = arith.constant 9.35762291E-14 : f32
    %select_n3A = arith.select %lt3A_8, %jit3A, %jit3A_9 : f32
    %jit3A_10 = arith.constant 0.999909222 : f32
    %select_n3A_11 = arith.select %lt3A_3, %jit3A_10, %select_n3A : f32
    %swap3A = arith.constant 0 : i32
    %swap3A_12 = arith.index_cast %swap3A : i32 to index
    %swap3A_13 = memref.load %arg4[%swap3A_12] : memref<39xf32, #tpu.memory_space<smem>>
    memref.store %select_n3A_11, %arg4[%swap3A_12] : memref<39xf32, #tpu.memory_space<smem>>
    %sub3A_14 = arith.constant 1.000000e+00 : f32
    %sub3A_15 = arith.subf %get3A_1, %sub3A_14 : f32
    %abs3A_16 = math.absf %sub3A_15 : f32
    %lt3A_17 = arith.constant 2.500000e-01 : f32
    %lt3A_18 = arith.cmpf olt, %abs3A_16, %lt3A_17 : f32
    %sub3A_19 = arith.constant 1.000000e+00 : f32
    %sub3A_20 = arith.subf %abs3A_16, %sub3A_19 : f32
    %abs3A_21 = math.absf %sub3A_20 : f32
    %lt3A_22 = arith.constant 2.500000e-01 : f32
    %lt3A_23 = arith.cmpf olt, %abs3A_21, %lt3A_22 : f32
    %jit3A_24 = arith.constant 4.53978682E-5 : f32
    %jit3A_25 = arith.constant 9.35762291E-14 : f32
    %select_n3A_26 = arith.select %lt3A_23, %jit3A_24, %jit3A_25 : f32
    %jit3A_27 = arith.constant 0.999909222 : f32
    %select_n3A_28 = arith.select %lt3A_18, %jit3A_27, %select_n3A_26 : f32
    %swap3A_29 = arith.constant 1 : i32
    %swap3A_30 = arith.index_cast %swap3A_29 : i32 to index
    %swap3A_31 = memref.load %arg4[%swap3A_30] : memref<39xf32, #tpu.memory_space<smem>>
    memref.store %select_n3A_28, %arg4[%swap3A_30] : memref<39xf32, #tpu.memory_space<smem>>
    %sub3A_32 = arith.constant 2.000000e+00 : f32
    %sub3A_33 = arith.subf %get3A_1, %sub3A_32 : f32
    %abs3A_34 = math.absf %sub3A_33 : f32
    %lt3A_35 = arith.constant 2.500000e-01 : f32
    %lt3A_36 = arith.cmpf olt, %abs3A_34, %lt3A_35 : f32
    %sub3A_37 = arith.constant 1.000000e+00 : f32
    %sub3A_38 = arith.subf %abs3A_34, %sub3A_37 : f32
    %abs3A_39 = math.absf %sub3A_38 : f32
    %lt3A_40 = arith.constant 2.500000e-01 : f32
    %lt3A_41 = arith.cmpf olt, %abs3A_39, %lt3A_40 : f32
    %jit3A_42 = arith.constant 4.53978682E-5 : f32
    %jit3A_43 = arith.constant 9.35762291E-14 : f32
    %select_n3A_44 = arith.select %lt3A_41, %jit3A_42, %jit3A_43 : f32
    %jit3A_45 = arith.constant 0.999909222 : f32
    %select_n3A_46 = arith.select %lt3A_36, %jit3A_45, %select_n3A_44 : f32
    %swap3A_47 = arith.constant 2 : i32
    %swap3A_48 = arith.index_cast %swap3A_47 : i32 to index
    %swap3A_49 = memref.load %arg4[%swap3A_48] : memref<39xf32, #tpu.memory_space<smem>>
    memref.store %select_n3A_46, %arg4[%swap3A_48] : memref<39xf32, #tpu.memory_space<smem>>
    %sub3A_50 = arith.constant 3.000000e+00 : f32
    %sub3A_51 = arith.subf %get3A_1, %sub3A_50 : f32
    %abs3A_52 = math.absf %sub3A_51 : f32
    %lt3A_53 = arith.constant 2.500000e-01 : f32
    %lt3A_54 = arith.cmpf olt, %abs3A_52, %lt3A_53 : f32
    %sub3A_55 = arith.constant 1.000000e+00 : f32
    %sub3A_56 = arith.subf %abs3A_52, %sub3A_55 : f32
    %abs3A_57 = math.absf %sub3A_56 : f32
    %lt3A_58 = arith.constant 2.500000e-01 : f32
    %lt3A_59 = arith.cmpf olt, %abs3A_57, %lt3A_58 : f32
    %jit3A_60 = arith.constant 4.53978682E-5 : f32
    %jit3A_61 = arith.constant 9.35762291E-14 : f32
    %select_n3A_62 = arith.select %lt3A_59, %jit3A_60, %jit3A_61 : f32
    %jit3A_63 = arith.constant 0.999909222 : f32
    %select_n3A_64 = arith.select %lt3A_54, %jit3A_63, %select_n3A_62 : f32
    %swap3A_65 = arith.constant 3 : i32
    %swap3A_66 = arith.index_cast %swap3A_65 : i32 to index
    %swap3A_67 = memref.load %arg4[%swap3A_66] : memref<39xf32, #tpu.memory_space<smem>>
    memref.store %select_n3A_64, %arg4[%swap3A_66] : memref<39xf32, #tpu.memory_space<smem>>
    %sub3A_68 = arith.constant 4.000000e+00 : f32
    %sub3A_69 = arith.subf %get3A_1, %sub3A_68 : f32
    %abs3A_70 = math.absf %sub3A_69 : f32
    %lt3A_71 = arith.constant 2.500000e-01 : f32
    %lt3A_72 = arith.cmpf olt, %abs3A_70, %lt3A_71 : f32
    %sub3A_73 = arith.constant 1.000000e+00 : f32
    %sub3A_74 = arith.subf %abs3A_70, %sub3A_73 : f32
    %abs3A_75 = math.absf %sub3A_74 : f32
    %lt3A_76 = arith.constant 2.500000e-01 : f32
    %lt3A_77 = arith.cmpf olt, %abs3A_75, %lt3A_76 : f32
    %jit3A_78 = arith.constant 4.53978682E-5 : f32
    %jit3A_79 = arith.constant 9.35762291E-14 : f32
    %select_n3A_80 = arith.select %lt3A_77, %jit3A_78, %jit3A_79 : f32
    %jit3A_81 = arith.constant 0.999909222 : f32
    %select_n3A_82 = arith.select %lt3A_72, %jit3A_81, %select_n3A_80 : f32
    %swap3A_83 = arith.constant 4 : i32
    %swap3A_84 = arith.index_cast %swap3A_83 : i32 to index
    %swap3A_85 = memref.load %arg4[%swap3A_84] : memref<39xf32, #tpu.memory_space<smem>>
    memref.store %select_n3A_82, %arg4[%swap3A_84] : memref<39xf32, #tpu.memory_space<smem>>
    %sub3A_86 = arith.constant 5.000000e+00 : f32
    %sub3A_87 = arith.subf %get3A_1, %sub3A_86 : f32
    %abs3A_88 = math.absf %sub3A_87 : f32
    %lt3A_89 = arith.constant 2.500000e-01 : f32
    %lt3A_90 = arith.cmpf olt, %abs3A_88, %lt3A_89 : f32
    %sub3A_91 = arith.constant 1.000000e+00 : f32
    %sub3A_92 = arith.subf %abs3A_88, %sub3A_91 : f32
    %abs3A_93 = math.absf %sub3A_92 : f32
    %lt3A_94 = arith.constant 2.500000e-01 : f32
    %lt3A_95 = arith.cmpf olt, %abs3A_93, %lt3A_94 : f32
    %jit3A_96 = arith.constant 4.53978682E-5 : f32
    %jit3A_97 = arith.constant 9.35762291E-14 : f32
    %select_n3A_98 = arith.select %lt3A_95, %jit3A_96, %jit3A_97 : f32
    %jit3A_99 = arith.constant 0.999909222 : f32
    %select_n3A_100 = arith.select %lt3A_90, %jit3A_99, %select_n3A_98 : f32
    %swap3A_101 = arith.constant 5 : i32
    %swap3A_102 = arith.index_cast %swap3A_101 : i32 to index
    %swap3A_103 = memref.load %arg4[%swap3A_102] : memref<39xf32, #tpu.memory_space<smem>>
    memref.store %select_n3A_100, %arg4[%swap3A_102] : memref<39xf32, #tpu.memory_space<smem>>
    %sub3A_104 = arith.constant 6.000000e+00 : f32
    %sub3A_105 = arith.subf %get3A_1, %sub3A_104 : f32
    %abs3A_106 = math.absf %sub3A_105 : f32
    %lt3A_107 = arith.constant 2.500000e-01 : f32
    %lt3A_108 = arith.cmpf olt, %abs3A_106, %lt3A_107 : f32
    %sub3A_109 = arith.constant 1.000000e+00 : f32
    %sub3A_110 = arith.subf %abs3A_106, %sub3A_109 : f32
    %abs3A_111 = math.absf %sub3A_110 : f32
    %lt3A_112 = arith.constant 2.500000e-01 : f32
    %lt3A_113 = arith.cmpf olt, %abs3A_111, %lt3A_112 : f32
    %jit3A_114 = arith.constant 4.53978682E-5 : f32
    %jit3A_115 = arith.constant 9.35762291E-14 : f32
    %select_n3A_116 = arith.select %lt3A_113, %jit3A_114, %jit3A_115 : f32
    %jit3A_117 = arith.constant 0.999909222 : f32
    %select_n3A_118 = arith.select %lt3A_108, %jit3A_117, %select_n3A_116 : f32
    %swap3A_119 = arith.constant 6 : i32
    %swap3A_120 = arith.index_cast %swap3A_119 : i32 to index
    %swap3A_121 = memref.load %arg4[%swap3A_120] : memref<39xf32, #tpu.memory_space<smem>>
    memref.store %select_n3A_118, %arg4[%swap3A_120] : memref<39xf32, #tpu.memory_space<smem>>
    %sub3A_122 = arith.constant 7.000000e+00 : f32
    %sub3A_123 = arith.subf %get3A_1, %sub3A_122 : f32
    %abs3A_124 = math.absf %sub3A_123 : f32
    %lt3A_125 = arith.constant 2.500000e-01 : f32
    %lt3A_126 = arith.cmpf olt, %abs3A_124, %lt3A_125 : f32
    %sub3A_127 = arith.constant 1.000000e+00 : f32
    %sub3A_128 = arith.subf %abs3A_124, %sub3A_127 : f32
    %abs3A_129 = math.absf %sub3A_128 : f32
    %lt3A_130 = arith.constant 2.500000e-01 : f32
    %lt3A_131 = arith.cmpf olt, %abs3A_129, %lt3A_130 : f32
    %jit3A_132 = arith.constant 4.53978682E-5 : f32
    %jit3A_133 = arith.constant 9.35762291E-14 : f32
    %select_n3A_134 = arith.select %lt3A_131, %jit3A_132, %jit3A_133 : f32
    %jit3A_135 = arith.constant 0.999909222 : f32
    %select_n3A_136 = arith.select %lt3A_126, %jit3A_135, %select_n3A_134 : f32
    %swap3A_137 = arith.constant 7 : i32
    %swap3A_138 = arith.index_cast %swap3A_137 : i32 to index
    %swap3A_139 = memref.load %arg4[%swap3A_138] : memref<39xf32, #tpu.memory_space<smem>>
    memref.store %select_n3A_136, %arg4[%swap3A_138] : memref<39xf32, #tpu.memory_space<smem>>
    %sub3A_140 = arith.constant 8.000000e+00 : f32
    %sub3A_141 = arith.subf %get3A_1, %sub3A_140 : f32
    %abs3A_142 = math.absf %sub3A_141 : f32
    %lt3A_143 = arith.constant 2.500000e-01 : f32
    %lt3A_144 = arith.cmpf olt, %abs3A_142, %lt3A_143 : f32
    %sub3A_145 = arith.constant 1.000000e+00 : f32
    %sub3A_146 = arith.subf %abs3A_142, %sub3A_145 : f32
    %abs3A_147 = math.absf %sub3A_146 : f32
    %lt3A_148 = arith.constant 2.500000e-01 : f32
    %lt3A_149 = arith.cmpf olt, %abs3A_147, %lt3A_148 : f32
    %jit3A_150 = arith.constant 4.53978682E-5 : f32
    %jit3A_151 = arith.constant 9.35762291E-14 : f32
    %select_n3A_152 = arith.select %lt3A_149, %jit3A_150, %jit3A_151 : f32
    %jit3A_153 = arith.constant 0.999909222 : f32
    %select_n3A_154 = arith.select %lt3A_144, %jit3A_153, %select_n3A_152 : f32
    %swap3A_155 = arith.constant 8 : i32
    %swap3A_156 = arith.index_cast %swap3A_155 : i32 to index
    %swap3A_157 = memref.load %arg4[%swap3A_156] : memref<39xf32, #tpu.memory_space<smem>>
    memref.store %select_n3A_154, %arg4[%swap3A_156] : memref<39xf32, #tpu.memory_space<smem>>
    %sub3A_158 = arith.constant 9.000000e+00 : f32
    %sub3A_159 = arith.subf %get3A_1, %sub3A_158 : f32
    %abs3A_160 = math.absf %sub3A_159 : f32
    %lt3A_161 = arith.constant 2.500000e-01 : f32
    %lt3A_162 = arith.cmpf olt, %abs3A_160, %lt3A_161 : f32
    %sub3A_163 = arith.constant 1.000000e+00 : f32
    %sub3A_164 = arith.subf %abs3A_160, %sub3A_163 : f32
    %abs3A_165 = math.absf %sub3A_164 : f32
    %lt3A_166 = arith.constant 2.500000e-01 : f32
    %lt3A_167 = arith.cmpf olt, %abs3A_165, %lt3A_166 : f32
    %jit3A_168 = arith.constant 4.53978682E-5 : f32
    %jit3A_169 = arith.constant 9.35762291E-14 : f32
    %select_n3A_170 = arith.select %lt3A_167, %jit3A_168, %jit3A_169 : f32
    %jit3A_171 = arith.constant 0.999909222 : f32
    %select_n3A_172 = arith.select %lt3A_162, %jit3A_171, %select_n3A_170 : f32
    %swap3A_173 = arith.constant 9 : i32
    %swap3A_174 = arith.index_cast %swap3A_173 : i32 to index
    %swap3A_175 = memref.load %arg4[%swap3A_174] : memref<39xf32, #tpu.memory_space<smem>>
    memref.store %select_n3A_172, %arg4[%swap3A_174] : memref<39xf32, #tpu.memory_space<smem>>
    %sub3A_176 = arith.constant 1.000000e+01 : f32
    %sub3A_177 = arith.subf %get3A_1, %sub3A_176 : f32
    %abs3A_178 = math.absf %sub3A_177 : f32
    %lt3A_179 = arith.constant 2.500000e-01 : f32
    %lt3A_180 = arith.cmpf olt, %abs3A_178, %lt3A_179 : f32
    %sub3A_181 = arith.constant 1.000000e+00 : f32
    %sub3A_182 = arith.subf %abs3A_178, %sub3A_181 : f32
    %abs3A_183 = math.absf %sub3A_182 : f32
    %lt3A_184 = arith.constant 2.500000e-01 : f32
    %lt3A_185 = arith.cmpf olt, %abs3A_183, %lt3A_184 : f32
    %jit3A_186 = arith.constant 4.53978682E-5 : f32
    %jit3A_187 = arith.constant 9.35762291E-14 : f32
    %select_n3A_188 = arith.select %lt3A_185, %jit3A_186, %jit3A_187 : f32
    %jit3A_189 = arith.constant 0.999909222 : f32
    %select_n3A_190 = arith.select %lt3A_180, %jit3A_189, %select_n3A_188 : f32
    %swap3A_191 = arith.constant 10 : i32
    %swap3A_192 = arith.index_cast %swap3A_191 : i32 to index
    %swap3A_193 = memref.load %arg4[%swap3A_192] : memref<39xf32, #tpu.memory_space<smem>>
    memref.store %select_n3A_190, %arg4[%swap3A_192] : memref<39xf32, #tpu.memory_space<smem>>
    %sub3A_194 = arith.constant 1.100000e+01 : f32
    %sub3A_195 = arith.subf %get3A_1, %sub3A_194 : f32
    %abs3A_196 = math.absf %sub3A_195 : f32
    %lt3A_197 = arith.constant 2.500000e-01 : f32
    %lt3A_198 = arith.cmpf olt, %abs3A_196, %lt3A_197 : f32
    %sub3A_199 = arith.constant 1.000000e+00 : f32
    %sub3A_200 = arith.subf %abs3A_196, %sub3A_199 : f32
    %abs3A_201 = math.absf %sub3A_200 : f32
    %lt3A_202 = arith.constant 2.500000e-01 : f32
    %lt3A_203 = arith.cmpf olt, %abs3A_201, %lt3A_202 : f32
    %jit3A_204 = arith.constant 4.53978682E-5 : f32
    %jit3A_205 = arith.constant 9.35762291E-14 : f32
    %select_n3A_206 = arith.select %lt3A_203, %jit3A_204, %jit3A_205 : f32
    %jit3A_207 = arith.constant 0.999909222 : f32
    %select_n3A_208 = arith.select %lt3A_198, %jit3A_207, %select_n3A_206 : f32
    %swap3A_209 = arith.constant 11 : i32
    %swap3A_210 = arith.index_cast %swap3A_209 : i32 to index
    %swap3A_211 = memref.load %arg4[%swap3A_210] : memref<39xf32, #tpu.memory_space<smem>>
    memref.store %select_n3A_208, %arg4[%swap3A_210] : memref<39xf32, #tpu.memory_space<smem>>
    %sub3A_212 = arith.constant 1.200000e+01 : f32
    %sub3A_213 = arith.subf %get3A_1, %sub3A_212 : f32
    %abs3A_214 = math.absf %sub3A_213 : f32
    %lt3A_215 = arith.constant 2.500000e-01 : f32
    %lt3A_216 = arith.cmpf olt, %abs3A_214, %lt3A_215 : f32
    %sub3A_217 = arith.constant 1.000000e+00 : f32
    %sub3A_218 = arith.subf %abs3A_214, %sub3A_217 : f32
    %abs3A_219 = math.absf %sub3A_218 : f32
    %lt3A_220 = arith.constant 2.500000e-01 : f32
    %lt3A_221 = arith.cmpf olt, %abs3A_219, %lt3A_220 : f32
    %jit3A_222 = arith.constant 4.53978682E-5 : f32
    %jit3A_223 = arith.constant 9.35762291E-14 : f32
    %select_n3A_224 = arith.select %lt3A_221, %jit3A_222, %jit3A_223 : f32
    %jit3A_225 = arith.constant 0.999909222 : f32
    %select_n3A_226 = arith.select %lt3A_216, %jit3A_225, %select_n3A_224 : f32
    %swap3A_227 = arith.constant 12 : i32
    %swap3A_228 = arith.index_cast %swap3A_227 : i32 to index
    %swap3A_229 = memref.load %arg4[%swap3A_228] : memref<39xf32, #tpu.memory_space<smem>>
    memref.store %select_n3A_226, %arg4[%swap3A_228] : memref<39xf32, #tpu.memory_space<smem>>
    %sub3A_230 = arith.constant 1.300000e+01 : f32
    %sub3A_231 = arith.subf %get3A_1, %sub3A_230 : f32
    %abs3A_232 = math.absf %sub3A_231 : f32
    %lt3A_233 = arith.constant 2.500000e-01 : f32
    %lt3A_234 = arith.cmpf olt, %abs3A_232, %lt3A_233 : f32
    %sub3A_235 = arith.constant 1.000000e+00 : f32
    %sub3A_236 = arith.subf %abs3A_232, %sub3A_235 : f32
    %abs3A_237 = math.absf %sub3A_236 : f32
    %lt3A_238 = arith.constant 2.500000e-01 : f32
    %lt3A_239 = arith.cmpf olt, %abs3A_237, %lt3A_238 : f32
    %jit3A_240 = arith.constant 4.53978682E-5 : f32
    %jit3A_241 = arith.constant 9.35762291E-14 : f32
    %select_n3A_242 = arith.select %lt3A_239, %jit3A_240, %jit3A_241 : f32
    %jit3A_243 = arith.constant 0.999909222 : f32
    %select_n3A_244 = arith.select %lt3A_234, %jit3A_243, %select_n3A_242 : f32
    %swap3A_245 = arith.constant 13 : i32
    %swap3A_246 = arith.index_cast %swap3A_245 : i32 to index
    %swap3A_247 = memref.load %arg4[%swap3A_246] : memref<39xf32, #tpu.memory_space<smem>>
    memref.store %select_n3A_244, %arg4[%swap3A_246] : memref<39xf32, #tpu.memory_space<smem>>
    %sub3A_248 = arith.constant 1.400000e+01 : f32
    %sub3A_249 = arith.subf %get3A_1, %sub3A_248 : f32
    %abs3A_250 = math.absf %sub3A_249 : f32
    %lt3A_251 = arith.constant 2.500000e-01 : f32
    %lt3A_252 = arith.cmpf olt, %abs3A_250, %lt3A_251 : f32
    %sub3A_253 = arith.constant 1.000000e+00 : f32
    %sub3A_254 = arith.subf %abs3A_250, %sub3A_253 : f32
    %abs3A_255 = math.absf %sub3A_254 : f32
    %lt3A_256 = arith.constant 2.500000e-01 : f32
    %lt3A_257 = arith.cmpf olt, %abs3A_255, %lt3A_256 : f32
    %jit3A_258 = arith.constant 4.53978682E-5 : f32
    %jit3A_259 = arith.constant 9.35762291E-14 : f32
    %select_n3A_260 = arith.select %lt3A_257, %jit3A_258, %jit3A_259 : f32
    %jit3A_261 = arith.constant 0.999909222 : f32
    %select_n3A_262 = arith.select %lt3A_252, %jit3A_261, %select_n3A_260 : f32
    %swap3A_263 = arith.constant 14 : i32
    %swap3A_264 = arith.index_cast %swap3A_263 : i32 to index
    %swap3A_265 = memref.load %arg4[%swap3A_264] : memref<39xf32, #tpu.memory_space<smem>>
    memref.store %select_n3A_262, %arg4[%swap3A_264] : memref<39xf32, #tpu.memory_space<smem>>
    %sub3A_266 = arith.constant 1.500000e+01 : f32
    %sub3A_267 = arith.subf %get3A_1, %sub3A_266 : f32
    %abs3A_268 = math.absf %sub3A_267 : f32
    %lt3A_269 = arith.constant 2.500000e-01 : f32
    %lt3A_270 = arith.cmpf olt, %abs3A_268, %lt3A_269 : f32
    %sub3A_271 = arith.constant 1.000000e+00 : f32
    %sub3A_272 = arith.subf %abs3A_268, %sub3A_271 : f32
    %abs3A_273 = math.absf %sub3A_272 : f32
    %lt3A_274 = arith.constant 2.500000e-01 : f32
    %lt3A_275 = arith.cmpf olt, %abs3A_273, %lt3A_274 : f32
    %jit3A_276 = arith.constant 4.53978682E-5 : f32
    %jit3A_277 = arith.constant 9.35762291E-14 : f32
    %select_n3A_278 = arith.select %lt3A_275, %jit3A_276, %jit3A_277 : f32
    %jit3A_279 = arith.constant 0.999909222 : f32
    %select_n3A_280 = arith.select %lt3A_270, %jit3A_279, %select_n3A_278 : f32
    %swap3A_281 = arith.constant 15 : i32
    %swap3A_282 = arith.index_cast %swap3A_281 : i32 to index
    %swap3A_283 = memref.load %arg4[%swap3A_282] : memref<39xf32, #tpu.memory_space<smem>>
    memref.store %select_n3A_280, %arg4[%swap3A_282] : memref<39xf32, #tpu.memory_space<smem>>
    %sub3A_284 = arith.constant 1.600000e+01 : f32
    %sub3A_285 = arith.subf %get3A_1, %sub3A_284 : f32
    %abs3A_286 = math.absf %sub3A_285 : f32
    %lt3A_287 = arith.constant 2.500000e-01 : f32
    %lt3A_288 = arith.cmpf olt, %abs3A_286, %lt3A_287 : f32
    %sub3A_289 = arith.constant 1.000000e+00 : f32
    %sub3A_290 = arith.subf %abs3A_286, %sub3A_289 : f32
    %abs3A_291 = math.absf %sub3A_290 : f32
    %lt3A_292 = arith.constant 2.500000e-01 : f32
    %lt3A_293 = arith.cmpf olt, %abs3A_291, %lt3A_292 : f32
    %jit3A_294 = arith.constant 4.53978682E-5 : f32
    %jit3A_295 = arith.constant 9.35762291E-14 : f32
    %select_n3A_296 = arith.select %lt3A_293, %jit3A_294, %jit3A_295 : f32
    %jit3A_297 = arith.constant 0.999909222 : f32
    %select_n3A_298 = arith.select %lt3A_288, %jit3A_297, %select_n3A_296 : f32
    %swap3A_299 = arith.constant 16 : i32
    %swap3A_300 = arith.index_cast %swap3A_299 : i32 to index
    %swap3A_301 = memref.load %arg4[%swap3A_300] : memref<39xf32, #tpu.memory_space<smem>>
    memref.store %select_n3A_298, %arg4[%swap3A_300] : memref<39xf32, #tpu.memory_space<smem>>
    %sub3A_302 = arith.constant 1.700000e+01 : f32
    %sub3A_303 = arith.subf %get3A_1, %sub3A_302 : f32
    %abs3A_304 = math.absf %sub3A_303 : f32
    %lt3A_305 = arith.constant 2.500000e-01 : f32
    %lt3A_306 = arith.cmpf olt, %abs3A_304, %lt3A_305 : f32
    %sub3A_307 = arith.constant 1.000000e+00 : f32
    %sub3A_308 = arith.subf %abs3A_304, %sub3A_307 : f32
    %abs3A_309 = math.absf %sub3A_308 : f32
    %lt3A_310 = arith.constant 2.500000e-01 : f32
    %lt3A_311 = arith.cmpf olt, %abs3A_309, %lt3A_310 : f32
    %jit3A_312 = arith.constant 4.53978682E-5 : f32
    %jit3A_313 = arith.constant 9.35762291E-14 : f32
    %select_n3A_314 = arith.select %lt3A_311, %jit3A_312, %jit3A_313 : f32
    %jit3A_315 = arith.constant 0.999909222 : f32
    %select_n3A_316 = arith.select %lt3A_306, %jit3A_315, %select_n3A_314 : f32
    %swap3A_317 = arith.constant 17 : i32
    %swap3A_318 = arith.index_cast %swap3A_317 : i32 to index
    %swap3A_319 = memref.load %arg4[%swap3A_318] : memref<39xf32, #tpu.memory_space<smem>>
    memref.store %select_n3A_316, %arg4[%swap3A_318] : memref<39xf32, #tpu.memory_space<smem>>
    %sub3A_320 = arith.constant 1.800000e+01 : f32
    %sub3A_321 = arith.subf %get3A_1, %sub3A_320 : f32
    %abs3A_322 = math.absf %sub3A_321 : f32
    %lt3A_323 = arith.constant 2.500000e-01 : f32
    %lt3A_324 = arith.cmpf olt, %abs3A_322, %lt3A_323 : f32
    %sub3A_325 = arith.constant 1.000000e+00 : f32
    %sub3A_326 = arith.subf %abs3A_322, %sub3A_325 : f32
    %abs3A_327 = math.absf %sub3A_326 : f32
    %lt3A_328 = arith.constant 2.500000e-01 : f32
    %lt3A_329 = arith.cmpf olt, %abs3A_327, %lt3A_328 : f32
    %jit3A_330 = arith.constant 4.53978682E-5 : f32
    %jit3A_331 = arith.constant 9.35762291E-14 : f32
    %select_n3A_332 = arith.select %lt3A_329, %jit3A_330, %jit3A_331 : f32
    %jit3A_333 = arith.constant 0.999909222 : f32
    %select_n3A_334 = arith.select %lt3A_324, %jit3A_333, %select_n3A_332 : f32
    %swap3A_335 = arith.constant 18 : i32
    %swap3A_336 = arith.index_cast %swap3A_335 : i32 to index
    %swap3A_337 = memref.load %arg4[%swap3A_336] : memref<39xf32, #tpu.memory_space<smem>>
    memref.store %select_n3A_334, %arg4[%swap3A_336] : memref<39xf32, #tpu.memory_space<smem>>
    %sub3A_338 = arith.constant 1.900000e+01 : f32
    %sub3A_339 = arith.subf %get3A_1, %sub3A_338 : f32
    %abs3A_340 = math.absf %sub3A_339 : f32
    %lt3A_341 = arith.constant 2.500000e-01 : f32
    %lt3A_342 = arith.cmpf olt, %abs3A_340, %lt3A_341 : f32
    %sub3A_343 = arith.constant 1.000000e+00 : f32
    %sub3A_344 = arith.subf %abs3A_340, %sub3A_343 : f32
    %abs3A_345 = math.absf %sub3A_344 : f32
    %lt3A_346 = arith.constant 2.500000e-01 : f32
    %lt3A_347 = arith.cmpf olt, %abs3A_345, %lt3A_346 : f32
    %jit3A_348 = arith.constant 4.53978682E-5 : f32
    %jit3A_349 = arith.constant 9.35762291E-14 : f32
    %select_n3A_350 = arith.select %lt3A_347, %jit3A_348, %jit3A_349 : f32
    %jit3A_351 = arith.constant 0.999909222 : f32
    %select_n3A_352 = arith.select %lt3A_342, %jit3A_351, %select_n3A_350 : f32
    %swap3A_353 = arith.constant 19 : i32
    %swap3A_354 = arith.index_cast %swap3A_353 : i32 to index
    %swap3A_355 = memref.load %arg4[%swap3A_354] : memref<39xf32, #tpu.memory_space<smem>>
    memref.store %select_n3A_352, %arg4[%swap3A_354] : memref<39xf32, #tpu.memory_space<smem>>
    %sub3A_356 = arith.constant 2.000000e+01 : f32
    %sub3A_357 = arith.subf %get3A_1, %sub3A_356 : f32
    %abs3A_358 = math.absf %sub3A_357 : f32
    %lt3A_359 = arith.constant 2.500000e-01 : f32
    %lt3A_360 = arith.cmpf olt, %abs3A_358, %lt3A_359 : f32
    %sub3A_361 = arith.constant 1.000000e+00 : f32
    %sub3A_362 = arith.subf %abs3A_358, %sub3A_361 : f32
    %abs3A_363 = math.absf %sub3A_362 : f32
    %lt3A_364 = arith.constant 2.500000e-01 : f32
    %lt3A_365 = arith.cmpf olt, %abs3A_363, %lt3A_364 : f32
    %jit3A_366 = arith.constant 4.53978682E-5 : f32
    %jit3A_367 = arith.constant 9.35762291E-14 : f32
    %select_n3A_368 = arith.select %lt3A_365, %jit3A_366, %jit3A_367 : f32
    %jit3A_369 = arith.constant 0.999909222 : f32
    %select_n3A_370 = arith.select %lt3A_360, %jit3A_369, %select_n3A_368 : f32
    %swap3A_371 = arith.constant 20 : i32
    %swap3A_372 = arith.index_cast %swap3A_371 : i32 to index
    %swap3A_373 = memref.load %arg4[%swap3A_372] : memref<39xf32, #tpu.memory_space<smem>>
    memref.store %select_n3A_370, %arg4[%swap3A_372] : memref<39xf32, #tpu.memory_space<smem>>
    %sub3A_374 = arith.constant 2.100000e+01 : f32
    %sub3A_375 = arith.subf %get3A_1, %sub3A_374 : f32
    %abs3A_376 = math.absf %sub3A_375 : f32
    %lt3A_377 = arith.constant 2.500000e-01 : f32
    %lt3A_378 = arith.cmpf olt, %abs3A_376, %lt3A_377 : f32
    %sub3A_379 = arith.constant 1.000000e+00 : f32
    %sub3A_380 = arith.subf %abs3A_376, %sub3A_379 : f32
    %abs3A_381 = math.absf %sub3A_380 : f32
    %lt3A_382 = arith.constant 2.500000e-01 : f32
    %lt3A_383 = arith.cmpf olt, %abs3A_381, %lt3A_382 : f32
    %jit3A_384 = arith.constant 4.53978682E-5 : f32
    %jit3A_385 = arith.constant 9.35762291E-14 : f32
    %select_n3A_386 = arith.select %lt3A_383, %jit3A_384, %jit3A_385 : f32
    %jit3A_387 = arith.constant 0.999909222 : f32
    %select_n3A_388 = arith.select %lt3A_378, %jit3A_387, %select_n3A_386 : f32
    %swap3A_389 = arith.constant 21 : i32
    %swap3A_390 = arith.index_cast %swap3A_389 : i32 to index
    %swap3A_391 = memref.load %arg4[%swap3A_390] : memref<39xf32, #tpu.memory_space<smem>>
    memref.store %select_n3A_388, %arg4[%swap3A_390] : memref<39xf32, #tpu.memory_space<smem>>
    %sub3A_392 = arith.constant 2.200000e+01 : f32
    %sub3A_393 = arith.subf %get3A_1, %sub3A_392 : f32
    %abs3A_394 = math.absf %sub3A_393 : f32
    %lt3A_395 = arith.constant 2.500000e-01 : f32
    %lt3A_396 = arith.cmpf olt, %abs3A_394, %lt3A_395 : f32
    %sub3A_397 = arith.constant 1.000000e+00 : f32
    %sub3A_398 = arith.subf %abs3A_394, %sub3A_397 : f32
    %abs3A_399 = math.absf %sub3A_398 : f32
    %lt3A_400 = arith.constant 2.500000e-01 : f32
    %lt3A_401 = arith.cmpf olt, %abs3A_399, %lt3A_400 : f32
    %jit3A_402 = arith.constant 4.53978682E-5 : f32
    %jit3A_403 = arith.constant 9.35762291E-14 : f32
    %select_n3A_404 = arith.select %lt3A_401, %jit3A_402, %jit3A_403 : f32
    %jit3A_405 = arith.constant 0.999909222 : f32
    %select_n3A_406 = arith.select %lt3A_396, %jit3A_405, %select_n3A_404 : f32
    %swap3A_407 = arith.constant 22 : i32
    %swap3A_408 = arith.index_cast %swap3A_407 : i32 to index
    %swap3A_409 = memref.load %arg4[%swap3A_408] : memref<39xf32, #tpu.memory_space<smem>>
    memref.store %select_n3A_406, %arg4[%swap3A_408] : memref<39xf32, #tpu.memory_space<smem>>
    %sub3A_410 = arith.constant 2.300000e+01 : f32
    %sub3A_411 = arith.subf %get3A_1, %sub3A_410 : f32
    %abs3A_412 = math.absf %sub3A_411 : f32
    %lt3A_413 = arith.constant 2.500000e-01 : f32
    %lt3A_414 = arith.cmpf olt, %abs3A_412, %lt3A_413 : f32
    %sub3A_415 = arith.constant 1.000000e+00 : f32
    %sub3A_416 = arith.subf %abs3A_412, %sub3A_415 : f32
    %abs3A_417 = math.absf %sub3A_416 : f32
    %lt3A_418 = arith.constant 2.500000e-01 : f32
    %lt3A_419 = arith.cmpf olt, %abs3A_417, %lt3A_418 : f32
    %jit3A_420 = arith.constant 4.53978682E-5 : f32
    %jit3A_421 = arith.constant 9.35762291E-14 : f32
    %select_n3A_422 = arith.select %lt3A_419, %jit3A_420, %jit3A_421 : f32
    %jit3A_423 = arith.constant 0.999909222 : f32
    %select_n3A_424 = arith.select %lt3A_414, %jit3A_423, %select_n3A_422 : f32
    %swap3A_425 = arith.constant 23 : i32
    %swap3A_426 = arith.index_cast %swap3A_425 : i32 to index
    %swap3A_427 = memref.load %arg4[%swap3A_426] : memref<39xf32, #tpu.memory_space<smem>>
    memref.store %select_n3A_424, %arg4[%swap3A_426] : memref<39xf32, #tpu.memory_space<smem>>
    %sub3A_428 = arith.constant 2.400000e+01 : f32
    %sub3A_429 = arith.subf %get3A_1, %sub3A_428 : f32
    %abs3A_430 = math.absf %sub3A_429 : f32
    %lt3A_431 = arith.constant 2.500000e-01 : f32
    %lt3A_432 = arith.cmpf olt, %abs3A_430, %lt3A_431 : f32
    %sub3A_433 = arith.constant 1.000000e+00 : f32
    %sub3A_434 = arith.subf %abs3A_430, %sub3A_433 : f32
    %abs3A_435 = math.absf %sub3A_434 : f32
    %lt3A_436 = arith.constant 2.500000e-01 : f32
    %lt3A_437 = arith.cmpf olt, %abs3A_435, %lt3A_436 : f32
    %jit3A_438 = arith.constant 4.53978682E-5 : f32
    %jit3A_439 = arith.constant 9.35762291E-14 : f32
    %select_n3A_440 = arith.select %lt3A_437, %jit3A_438, %jit3A_439 : f32
    %jit3A_441 = arith.constant 0.999909222 : f32
    %select_n3A_442 = arith.select %lt3A_432, %jit3A_441, %select_n3A_440 : f32
    %swap3A_443 = arith.constant 24 : i32
    %swap3A_444 = arith.index_cast %swap3A_443 : i32 to index
    %swap3A_445 = memref.load %arg4[%swap3A_444] : memref<39xf32, #tpu.memory_space<smem>>
    memref.store %select_n3A_442, %arg4[%swap3A_444] : memref<39xf32, #tpu.memory_space<smem>>
    %sub3A_446 = arith.constant 2.500000e+01 : f32
    %sub3A_447 = arith.subf %get3A_1, %sub3A_446 : f32
    %abs3A_448 = math.absf %sub3A_447 : f32
    %lt3A_449 = arith.constant 2.500000e-01 : f32
    %lt3A_450 = arith.cmpf olt, %abs3A_448, %lt3A_449 : f32
    %sub3A_451 = arith.constant 1.000000e+00 : f32
    %sub3A_452 = arith.subf %abs3A_448, %sub3A_451 : f32
    %abs3A_453 = math.absf %sub3A_452 : f32
    %lt3A_454 = arith.constant 2.500000e-01 : f32
    %lt3A_455 = arith.cmpf olt, %abs3A_453, %lt3A_454 : f32
    %jit3A_456 = arith.constant 4.53978682E-5 : f32
    %jit3A_457 = arith.constant 9.35762291E-14 : f32
    %select_n3A_458 = arith.select %lt3A_455, %jit3A_456, %jit3A_457 : f32
    %jit3A_459 = arith.constant 0.999909222 : f32
    %select_n3A_460 = arith.select %lt3A_450, %jit3A_459, %select_n3A_458 : f32
    %swap3A_461 = arith.constant 25 : i32
    %swap3A_462 = arith.index_cast %swap3A_461 : i32 to index
    %swap3A_463 = memref.load %arg4[%swap3A_462] : memref<39xf32, #tpu.memory_space<smem>>
    memref.store %select_n3A_460, %arg4[%swap3A_462] : memref<39xf32, #tpu.memory_space<smem>>
    %sub3A_464 = arith.constant 2.600000e+01 : f32
    %sub3A_465 = arith.subf %get3A_1, %sub3A_464 : f32
    %abs3A_466 = math.absf %sub3A_465 : f32
    %lt3A_467 = arith.constant 2.500000e-01 : f32
    %lt3A_468 = arith.cmpf olt, %abs3A_466, %lt3A_467 : f32
    %sub3A_469 = arith.constant 1.000000e+00 : f32
    %sub3A_470 = arith.subf %abs3A_466, %sub3A_469 : f32
    %abs3A_471 = math.absf %sub3A_470 : f32
    %lt3A_472 = arith.constant 2.500000e-01 : f32
    %lt3A_473 = arith.cmpf olt, %abs3A_471, %lt3A_472 : f32
    %jit3A_474 = arith.constant 4.53978682E-5 : f32
    %jit3A_475 = arith.constant 9.35762291E-14 : f32
    %select_n3A_476 = arith.select %lt3A_473, %jit3A_474, %jit3A_475 : f32
    %jit3A_477 = arith.constant 0.999909222 : f32
    %select_n3A_478 = arith.select %lt3A_468, %jit3A_477, %select_n3A_476 : f32
    %swap3A_479 = arith.constant 26 : i32
    %swap3A_480 = arith.index_cast %swap3A_479 : i32 to index
    %swap3A_481 = memref.load %arg4[%swap3A_480] : memref<39xf32, #tpu.memory_space<smem>>
    memref.store %select_n3A_478, %arg4[%swap3A_480] : memref<39xf32, #tpu.memory_space<smem>>
    %sub3A_482 = arith.constant 2.700000e+01 : f32
    %sub3A_483 = arith.subf %get3A_1, %sub3A_482 : f32
    %abs3A_484 = math.absf %sub3A_483 : f32
    %lt3A_485 = arith.constant 2.500000e-01 : f32
    %lt3A_486 = arith.cmpf olt, %abs3A_484, %lt3A_485 : f32
    %sub3A_487 = arith.constant 1.000000e+00 : f32
    %sub3A_488 = arith.subf %abs3A_484, %sub3A_487 : f32
    %abs3A_489 = math.absf %sub3A_488 : f32
    %lt3A_490 = arith.constant 2.500000e-01 : f32
    %lt3A_491 = arith.cmpf olt, %abs3A_489, %lt3A_490 : f32
    %jit3A_492 = arith.constant 4.53978682E-5 : f32
    %jit3A_493 = arith.constant 9.35762291E-14 : f32
    %select_n3A_494 = arith.select %lt3A_491, %jit3A_492, %jit3A_493 : f32
    %jit3A_495 = arith.constant 0.999909222 : f32
    %select_n3A_496 = arith.select %lt3A_486, %jit3A_495, %select_n3A_494 : f32
    %swap3A_497 = arith.constant 27 : i32
    %swap3A_498 = arith.index_cast %swap3A_497 : i32 to index
    %swap3A_499 = memref.load %arg4[%swap3A_498] : memref<39xf32, #tpu.memory_space<smem>>
    memref.store %select_n3A_496, %arg4[%swap3A_498] : memref<39xf32, #tpu.memory_space<smem>>
    %sub3A_500 = arith.constant 2.800000e+01 : f32
    %sub3A_501 = arith.subf %get3A_1, %sub3A_500 : f32
    %abs3A_502 = math.absf %sub3A_501 : f32
    %lt3A_503 = arith.constant 2.500000e-01 : f32
    %lt3A_504 = arith.cmpf olt, %abs3A_502, %lt3A_503 : f32
    %sub3A_505 = arith.constant 1.000000e+00 : f32
    %sub3A_506 = arith.subf %abs3A_502, %sub3A_505 : f32
    %abs3A_507 = math.absf %sub3A_506 : f32
    %lt3A_508 = arith.constant 2.500000e-01 : f32
    %lt3A_509 = arith.cmpf olt, %abs3A_507, %lt3A_508 : f32
    %jit3A_510 = arith.constant 4.53978682E-5 : f32
    %jit3A_511 = arith.constant 9.35762291E-14 : f32
    %select_n3A_512 = arith.select %lt3A_509, %jit3A_510, %jit3A_511 : f32
    %jit3A_513 = arith.constant 0.999909222 : f32
    %select_n3A_514 = arith.select %lt3A_504, %jit3A_513, %select_n3A_512 : f32
    %swap3A_515 = arith.constant 28 : i32
    %swap3A_516 = arith.index_cast %swap3A_515 : i32 to index
    %swap3A_517 = memref.load %arg4[%swap3A_516] : memref<39xf32, #tpu.memory_space<smem>>
    memref.store %select_n3A_514, %arg4[%swap3A_516] : memref<39xf32, #tpu.memory_space<smem>>
    %sub3A_518 = arith.constant 2.900000e+01 : f32
    %sub3A_519 = arith.subf %get3A_1, %sub3A_518 : f32
    %abs3A_520 = math.absf %sub3A_519 : f32
    %lt3A_521 = arith.constant 2.500000e-01 : f32
    %lt3A_522 = arith.cmpf olt, %abs3A_520, %lt3A_521 : f32
    %sub3A_523 = arith.constant 1.000000e+00 : f32
    %sub3A_524 = arith.subf %abs3A_520, %sub3A_523 : f32
    %abs3A_525 = math.absf %sub3A_524 : f32
    %lt3A_526 = arith.constant 2.500000e-01 : f32
    %lt3A_527 = arith.cmpf olt, %abs3A_525, %lt3A_526 : f32
    %jit3A_528 = arith.constant 4.53978682E-5 : f32
    %jit3A_529 = arith.constant 9.35762291E-14 : f32
    %select_n3A_530 = arith.select %lt3A_527, %jit3A_528, %jit3A_529 : f32
    %jit3A_531 = arith.constant 0.999909222 : f32
    %select_n3A_532 = arith.select %lt3A_522, %jit3A_531, %select_n3A_530 : f32
    %swap3A_533 = arith.constant 29 : i32
    %swap3A_534 = arith.index_cast %swap3A_533 : i32 to index
    %swap3A_535 = memref.load %arg4[%swap3A_534] : memref<39xf32, #tpu.memory_space<smem>>
    memref.store %select_n3A_532, %arg4[%swap3A_534] : memref<39xf32, #tpu.memory_space<smem>>
    %sub3A_536 = arith.constant 3.000000e+01 : f32
    %sub3A_537 = arith.subf %get3A_1, %sub3A_536 : f32
    %abs3A_538 = math.absf %sub3A_537 : f32
    %lt3A_539 = arith.constant 2.500000e-01 : f32
    %lt3A_540 = arith.cmpf olt, %abs3A_538, %lt3A_539 : f32
    %sub3A_541 = arith.constant 1.000000e+00 : f32
    %sub3A_542 = arith.subf %abs3A_538, %sub3A_541 : f32
    %abs3A_543 = math.absf %sub3A_542 : f32
    %lt3A_544 = arith.constant 2.500000e-01 : f32
    %lt3A_545 = arith.cmpf olt, %abs3A_543, %lt3A_544 : f32
    %jit3A_546 = arith.constant 4.53978682E-5 : f32
    %jit3A_547 = arith.constant 9.35762291E-14 : f32
    %select_n3A_548 = arith.select %lt3A_545, %jit3A_546, %jit3A_547 : f32
    %jit3A_549 = arith.constant 0.999909222 : f32
    %select_n3A_550 = arith.select %lt3A_540, %jit3A_549, %select_n3A_548 : f32
    %swap3A_551 = arith.constant 30 : i32
    %swap3A_552 = arith.index_cast %swap3A_551 : i32 to index
    %swap3A_553 = memref.load %arg4[%swap3A_552] : memref<39xf32, #tpu.memory_space<smem>>
    memref.store %select_n3A_550, %arg4[%swap3A_552] : memref<39xf32, #tpu.memory_space<smem>>
    %sub3A_554 = arith.constant 3.100000e+01 : f32
    %sub3A_555 = arith.subf %get3A_1, %sub3A_554 : f32
    %abs3A_556 = math.absf %sub3A_555 : f32
    %lt3A_557 = arith.constant 2.500000e-01 : f32
    %lt3A_558 = arith.cmpf olt, %abs3A_556, %lt3A_557 : f32
    %sub3A_559 = arith.constant 1.000000e+00 : f32
    %sub3A_560 = arith.subf %abs3A_556, %sub3A_559 : f32
    %abs3A_561 = math.absf %sub3A_560 : f32
    %lt3A_562 = arith.constant 2.500000e-01 : f32
    %lt3A_563 = arith.cmpf olt, %abs3A_561, %lt3A_562 : f32
    %jit3A_564 = arith.constant 4.53978682E-5 : f32
    %jit3A_565 = arith.constant 9.35762291E-14 : f32
    %select_n3A_566 = arith.select %lt3A_563, %jit3A_564, %jit3A_565 : f32
    %jit3A_567 = arith.constant 0.999909222 : f32
    %select_n3A_568 = arith.select %lt3A_558, %jit3A_567, %select_n3A_566 : f32
    %swap3A_569 = arith.constant 31 : i32
    %swap3A_570 = arith.index_cast %swap3A_569 : i32 to index
    %swap3A_571 = memref.load %arg4[%swap3A_570] : memref<39xf32, #tpu.memory_space<smem>>
    memref.store %select_n3A_568, %arg4[%swap3A_570] : memref<39xf32, #tpu.memory_space<smem>>
    %sub3A_572 = arith.constant 3.200000e+01 : f32
    %sub3A_573 = arith.subf %get3A_1, %sub3A_572 : f32
    %abs3A_574 = math.absf %sub3A_573 : f32
    %lt3A_575 = arith.constant 2.500000e-01 : f32
    %lt3A_576 = arith.cmpf olt, %abs3A_574, %lt3A_575 : f32
    %sub3A_577 = arith.constant 1.000000e+00 : f32
    %sub3A_578 = arith.subf %abs3A_574, %sub3A_577 : f32
    %abs3A_579 = math.absf %sub3A_578 : f32
    %lt3A_580 = arith.constant 2.500000e-01 : f32
    %lt3A_581 = arith.cmpf olt, %abs3A_579, %lt3A_580 : f32
    %jit3A_582 = arith.constant 4.53978682E-5 : f32
    %jit3A_583 = arith.constant 9.35762291E-14 : f32
    %select_n3A_584 = arith.select %lt3A_581, %jit3A_582, %jit3A_583 : f32
    %jit3A_585 = arith.constant 0.999909222 : f32
    %select_n3A_586 = arith.select %lt3A_576, %jit3A_585, %select_n3A_584 : f32
    %swap3A_587 = arith.constant 32 : i32
    %swap3A_588 = arith.index_cast %swap3A_587 : i32 to index
    %swap3A_589 = memref.load %arg4[%swap3A_588] : memref<39xf32, #tpu.memory_space<smem>>
    memref.store %select_n3A_586, %arg4[%swap3A_588] : memref<39xf32, #tpu.memory_space<smem>>
    %sub3A_590 = arith.constant 3.300000e+01 : f32
    %sub3A_591 = arith.subf %get3A_1, %sub3A_590 : f32
    %abs3A_592 = math.absf %sub3A_591 : f32
    %lt3A_593 = arith.constant 2.500000e-01 : f32
    %lt3A_594 = arith.cmpf olt, %abs3A_592, %lt3A_593 : f32
    %sub3A_595 = arith.constant 1.000000e+00 : f32
    %sub3A_596 = arith.subf %abs3A_592, %sub3A_595 : f32
    %abs3A_597 = math.absf %sub3A_596 : f32
    %lt3A_598 = arith.constant 2.500000e-01 : f32
    %lt3A_599 = arith.cmpf olt, %abs3A_597, %lt3A_598 : f32
    %jit3A_600 = arith.constant 4.53978682E-5 : f32
    %jit3A_601 = arith.constant 9.35762291E-14 : f32
    %select_n3A_602 = arith.select %lt3A_599, %jit3A_600, %jit3A_601 : f32
    %jit3A_603 = arith.constant 0.999909222 : f32
    %select_n3A_604 = arith.select %lt3A_594, %jit3A_603, %select_n3A_602 : f32
    %swap3A_605 = arith.constant 33 : i32
    %swap3A_606 = arith.index_cast %swap3A_605 : i32 to index
    %swap3A_607 = memref.load %arg4[%swap3A_606] : memref<39xf32, #tpu.memory_space<smem>>
    memref.store %select_n3A_604, %arg4[%swap3A_606] : memref<39xf32, #tpu.memory_space<smem>>
    %sub3A_608 = arith.constant 3.400000e+01 : f32
    %sub3A_609 = arith.subf %get3A_1, %sub3A_608 : f32
    %abs3A_610 = math.absf %sub3A_609 : f32
    %lt3A_611 = arith.constant 2.500000e-01 : f32
    %lt3A_612 = arith.cmpf olt, %abs3A_610, %lt3A_611 : f32
    %sub3A_613 = arith.constant 1.000000e+00 : f32
    %sub3A_614 = arith.subf %abs3A_610, %sub3A_613 : f32
    %abs3A_615 = math.absf %sub3A_614 : f32
    %lt3A_616 = arith.constant 2.500000e-01 : f32
    %lt3A_617 = arith.cmpf olt, %abs3A_615, %lt3A_616 : f32
    %jit3A_618 = arith.constant 4.53978682E-5 : f32
    %jit3A_619 = arith.constant 9.35762291E-14 : f32
    %select_n3A_620 = arith.select %lt3A_617, %jit3A_618, %jit3A_619 : f32
    %jit3A_621 = arith.constant 0.999909222 : f32
    %select_n3A_622 = arith.select %lt3A_612, %jit3A_621, %select_n3A_620 : f32
    %swap3A_623 = arith.constant 34 : i32
    %swap3A_624 = arith.index_cast %swap3A_623 : i32 to index
    %swap3A_625 = memref.load %arg4[%swap3A_624] : memref<39xf32, #tpu.memory_space<smem>>
    memref.store %select_n3A_622, %arg4[%swap3A_624] : memref<39xf32, #tpu.memory_space<smem>>
    %sub3A_626 = arith.constant 3.500000e+01 : f32
    %sub3A_627 = arith.subf %get3A_1, %sub3A_626 : f32
    %abs3A_628 = math.absf %sub3A_627 : f32
    %lt3A_629 = arith.constant 2.500000e-01 : f32
    %lt3A_630 = arith.cmpf olt, %abs3A_628, %lt3A_629 : f32
    %sub3A_631 = arith.constant 1.000000e+00 : f32
    %sub3A_632 = arith.subf %abs3A_628, %sub3A_631 : f32
    %abs3A_633 = math.absf %sub3A_632 : f32
    %lt3A_634 = arith.constant 2.500000e-01 : f32
    %lt3A_635 = arith.cmpf olt, %abs3A_633, %lt3A_634 : f32
    %jit3A_636 = arith.constant 4.53978682E-5 : f32
    %jit3A_637 = arith.constant 9.35762291E-14 : f32
    %select_n3A_638 = arith.select %lt3A_635, %jit3A_636, %jit3A_637 : f32
    %jit3A_639 = arith.constant 0.999909222 : f32
    %select_n3A_640 = arith.select %lt3A_630, %jit3A_639, %select_n3A_638 : f32
    %swap3A_641 = arith.constant 35 : i32
    %swap3A_642 = arith.index_cast %swap3A_641 : i32 to index
    %swap3A_643 = memref.load %arg4[%swap3A_642] : memref<39xf32, #tpu.memory_space<smem>>
    memref.store %select_n3A_640, %arg4[%swap3A_642] : memref<39xf32, #tpu.memory_space<smem>>
    %sub3A_644 = arith.constant 3.600000e+01 : f32
    %sub3A_645 = arith.subf %get3A_1, %sub3A_644 : f32
    %abs3A_646 = math.absf %sub3A_645 : f32
    %lt3A_647 = arith.constant 2.500000e-01 : f32
    %lt3A_648 = arith.cmpf olt, %abs3A_646, %lt3A_647 : f32
    %sub3A_649 = arith.constant 1.000000e+00 : f32
    %sub3A_650 = arith.subf %abs3A_646, %sub3A_649 : f32
    %abs3A_651 = math.absf %sub3A_650 : f32
    %lt3A_652 = arith.constant 2.500000e-01 : f32
    %lt3A_653 = arith.cmpf olt, %abs3A_651, %lt3A_652 : f32
    %jit3A_654 = arith.constant 4.53978682E-5 : f32
    %jit3A_655 = arith.constant 9.35762291E-14 : f32
    %select_n3A_656 = arith.select %lt3A_653, %jit3A_654, %jit3A_655 : f32
    %jit3A_657 = arith.constant 0.999909222 : f32
    %select_n3A_658 = arith.select %lt3A_648, %jit3A_657, %select_n3A_656 : f32
    %swap3A_659 = arith.constant 36 : i32
    %swap3A_660 = arith.index_cast %swap3A_659 : i32 to index
    %swap3A_661 = memref.load %arg4[%swap3A_660] : memref<39xf32, #tpu.memory_space<smem>>
    memref.store %select_n3A_658, %arg4[%swap3A_660] : memref<39xf32, #tpu.memory_space<smem>>
    %sub3A_662 = arith.constant 3.700000e+01 : f32
    %sub3A_663 = arith.subf %get3A_1, %sub3A_662 : f32
    %abs3A_664 = math.absf %sub3A_663 : f32
    %lt3A_665 = arith.constant 2.500000e-01 : f32
    %lt3A_666 = arith.cmpf olt, %abs3A_664, %lt3A_665 : f32
    %sub3A_667 = arith.constant 1.000000e+00 : f32
    %sub3A_668 = arith.subf %abs3A_664, %sub3A_667 : f32
    %abs3A_669 = math.absf %sub3A_668 : f32
    %lt3A_670 = arith.constant 2.500000e-01 : f32
    %lt3A_671 = arith.cmpf olt, %abs3A_669, %lt3A_670 : f32
    %jit3A_672 = arith.constant 4.53978682E-5 : f32
    %jit3A_673 = arith.constant 9.35762291E-14 : f32
    %select_n3A_674 = arith.select %lt3A_671, %jit3A_672, %jit3A_673 : f32
    %jit3A_675 = arith.constant 0.999909222 : f32
    %select_n3A_676 = arith.select %lt3A_666, %jit3A_675, %select_n3A_674 : f32
    %swap3A_677 = arith.constant 37 : i32
    %swap3A_678 = arith.index_cast %swap3A_677 : i32 to index
    %swap3A_679 = memref.load %arg4[%swap3A_678] : memref<39xf32, #tpu.memory_space<smem>>
    memref.store %select_n3A_676, %arg4[%swap3A_678] : memref<39xf32, #tpu.memory_space<smem>>
    %sub3A_680 = arith.constant 3.800000e+01 : f32
    %sub3A_681 = arith.subf %get3A_1, %sub3A_680 : f32
    %abs3A_682 = math.absf %sub3A_681 : f32
    %lt3A_683 = arith.constant 2.500000e-01 : f32
    %lt3A_684 = arith.cmpf olt, %abs3A_682, %lt3A_683 : f32
    %sub3A_685 = arith.constant 1.000000e+00 : f32
    %sub3A_686 = arith.subf %abs3A_682, %sub3A_685 : f32
    %abs3A_687 = math.absf %sub3A_686 : f32
    %lt3A_688 = arith.constant 2.500000e-01 : f32
    %lt3A_689 = arith.cmpf olt, %abs3A_687, %lt3A_688 : f32
    %jit3A_690 = arith.constant 4.53978682E-5 : f32
    %jit3A_691 = arith.constant 9.35762291E-14 : f32
    %select_n3A_692 = arith.select %lt3A_689, %jit3A_690, %jit3A_691 : f32
    %jit3A_693 = arith.constant 0.999909222 : f32
    %select_n3A_694 = arith.select %lt3A_684, %jit3A_693, %select_n3A_692 : f32
    %swap3A_695 = arith.constant 38 : i32
    %swap3A_696 = arith.index_cast %swap3A_695 : i32 to index
    %swap3A_697 = memref.load %arg4[%swap3A_696] : memref<39xf32, #tpu.memory_space<smem>>
    memref.store %select_n3A_694, %arg4[%swap3A_696] : memref<39xf32, #tpu.memory_space<smem>>
    "tpu.region"() ({
      %run_scoped3A = tpu.sem_alloc : memref<!tpu.dma_semaphore, #tpu.memory_space<semaphore_mem>>
      tpu.enqueue_dma source(%arg4 : memref<39xf32, #tpu.memory_space<smem>>) target(%arg2 : memref<39xf32, #tpu.memory_space<hbm>>) target_semaphore(%run_scoped3A : memref<!tpu.dma_semaphore, #tpu.memory_space<semaphore_mem>>)
      tpu.wait_dma2 semaphore(%run_scoped3A : memref<!tpu.dma_semaphore, #tpu.memory_space<semaphore_mem>>) src(%arg4 : memref<39xf32, #tpu.memory_space<smem>>) dst(%arg2 : memref<39xf32, #tpu.memory_space<hbm>>)
      tpu.yield
    }) : () -> ()
    return
  }
}

</mosaic_0001>

<sc_bundles>
// kernel: kernel.3.cloned.1.call-start
scs
__scs_entry_jumppad:
0x0: {  	(pc) =	sbr.rel $0x88, $3  }
0x1: {  	(tag) =	ssettag $0x0;
	lr =	simm.s32 $0x1  }
0x2: {  	[smem:$0x3FA0] =	sst lr;
	_ =	strace $0xD0000000  }
0x3: {  	_ = 	snop  }
0x4: {  	_ = 	snop  }
0x5: {  	_ = 	snop  }
0x6: {  	_ = 	snop  }
0x7: {  	_ = 	snop  }
__scs_overlays_trampoline_lowered:
0x8: {  	[smem:$0x3FAF] =	sst s0  }
0x9: {  	[smem:$0x3FB0] =	sst s1  }
0xa: {  	[smem:$0x3FB1] =	sst s2  }
0xb: {  	[smem:$0x3FB2] =	sst s3  }
0xc: {  	[smem:$0x3FB3] =	sst s4  }
0xd: {  	[smem:$0x3FB4] =	sst s5  }
0xe: {  	[smem:$0x3FB5] =	sst s6  }
0xf: {  	[smem:$0x3FB6] =	sst s7  }
0x10: {  	[smem:$0x3FB7] =	sst s8  }
0x11: {  	[smem:$0x3FB8] =	sst s9;
	s0 =	simm.s32 @!p0 $0x0  }
0x12: {  	s1 =	sld [smem:$0x3F9E];
	s0 =	simm.s32 @p0 $0x1  }
0x13: {  	[smem:$0x3FB9] =	sst s0;
	s0 =	simm.s32 @!p1 $0x0  }
0x14: {  	s2 =	sld [smem:$0x3F9D];
	s0 =	simm.s32 @p1 $0x1  }
0x15: {  	[smem:$0x3FBA] =	sst s0;
	s0 =	simm.s32 @!p2 $0x0  }
0x16: {  	s3 =	sld [smem:$0x3FDB];
	s0 =	simm.s32 @p2 $0x1  }
0x17: {  	s4 =	simm.s32 $0x1BF5;
	[smem:$0x3FBC] =	sst s0  }
0x18: {  	s0 =	sld [smem:$0x3F9F];
	_ =	swait.ge [sflag:s4], $0x0  }
0x19: {  	s7 =	sld [smem:$0x3FA0]  }
0x1a: {  	s8 =	sadd.s32 $0xFFFFE003, lr  }
0x1b: {  	s9 =	sadd.s32 $0xFFFFFEF7, lr;
	s5 =	simm.s32 $0xFFFFFFFF;
	p2 =	slt.u32 s8, $0xFFFFF086  }
0x1c: {  	p1 =	slt.u32 s9, $0xF7A;
	s5 =	simm.s32 @!p2 $0x0  }
0x1d: {  	s5 =	simm.s32 @p1 $0x1;
	p0 =	seq.s32 s7, s2  }
0x1e: {  	s7 =	smul.u32 @!p0 $0xF7A, s2;
	p2 =	seq.s32 @!p0 s5, $0x0  }
0x1f: {  	s9 =	smul.u32 $0xF7A, s1;
	s8 =	simm.s32 @!p0 $0x1BF5;
	p2 =	por !p2, p0  }
0x20: {  	[sflag:s8] =	ssyncset.s32 @!p0 $0xFFFFF086;
	s6 =	sadd.s32 @!p0 s3, s7;
	s7 =	simm.s32 @!p0 $0x108  }
0x21: {  	s3 =	sadd.s32 s3, s9;
	s6 =	sadd.s32 @!p0 $0x88, s6;
	s7 =	simm.s32 @p2 $0x1082  }
0x22: {  	[simem:s7], [sflag:s8] =	dma.local @!p0 [hbm:s6], $0xF7A  }
0x23: {  	s9 =	sor.u32 $0xD0000000, s2;
	s6 =	simm.s32 $0x108;
	_ =	swait.ge @!p0 [sflag:s8], $0x0  }
0x24: {  	s3 =	sadd.s32 $0x88, s3;
	s6 =	simm.s32 @!p1 $0x1082;
	[sflag:s4] =	ssyncset.s32 $0xFFFFF086  }
0x25: {  	[simem:s6], [sflag:s4] =	dma.local [hbm:s3], $0xF7A  }
0x26: {  	[smem:$0x3FA0] =	sst s1;
	(tag) =	ssettag s2;
	_ =	strace s9  }
0x27: {  	s1 =	sld [smem:$0x3FB0]  }
0x28: {  	s2 =	sld [smem:$0x3FB1]  }
0x29: {  	s4 =	sld [smem:$0x3FB3]  }
0x2a: {  	p0 =	seq.s32 s5, $0x0;
	s5 =	sld [smem:$0x3FB4]  }
0x2b: {  	s6 =	sld [smem:$0x3FB5]  }
0x2c: {  	s7 =	sld [smem:$0x3FB6]  }
0x2d: {  	s3 =	simm.s32 $0x108;
	s8 =	sld [smem:$0x3FB7]  }
0x2e: {  	s3 =	simm.s32 @!p0 $0x1082;
	s9 =	sld [smem:$0x3FB8]  }
0x2f: {  	lr =	sadd.s32 s0, s3;
	s0 =	sld [smem:$0x3FAF]  }
0x30: {  	s3 =	sld [smem:$0x3FB2]  }
0x31: {  	[smem:$0x3FBB] =	sst s10  }
0x32: {  	s10 =	sld [smem:$0x3FB9];
	_ =	sdelay $0x3  }
0x33: {  	p0 =	seq.s32 s10, $0x1;
	s10 =	sld [smem:$0x3FBB];
	_ =	sdelay $0x3  }
0x34: {  	[smem:$0x3FBB] =	sst s10  }
0x35: {  	s10 =	sld [smem:$0x3FBA];
	_ =	sdelay $0x3  }
0x36: {  	p1 =	seq.s32 s10, $0x1;
	s10 =	sld [smem:$0x3FBB];
	_ =	sdelay $0x3  }
0x37: {  	[smem:$0x3FBB] =	sst s10  }
0x38: {  	s10 =	sld [smem:$0x3FBC]  }
0x39: {  	_ = 	snop;
	(pc) =	sbr.ind lr, $3  }
0x3a: {  	_ = 	snop  }
0x3b: {  	_ = 	snop  }
0x3c: {  	p2 =	seq.s32 s10, $0x1;
	s10 =	sld [smem:$0x3FBB]  }
0x3d: {  	_ =	shalt  }
0x3e: {  	_ =	shalt  }
0x3f: {  	_ =	shalt  }
0x40: {  	_ =	shalt  }
0x41: {  	_ =	shalt  }
0x42: {  	_ =	shalt  }
0x43: {  	_ =	shalt  }
0x44: {  	_ =	shalt  }
0x45: {  	_ =	shalt  }
0x46: {  	_ =	shalt  }
0x47: {  	_ =	shalt  }
0x48: {  	_ =	shalt  }
0x49: {  	_ =	shalt  }
0x4a: {  	_ =	shalt  }
0x4b: {  	_ =	shalt  }
0x4c: {  	_ =	shalt  }
0x4d: {  	_ =	shalt  }
0x4e: {  	_ =	shalt  }
0x4f: {  	_ =	shalt  }
0x50: {  	_ =	shalt  }
0x51: {  	_ =	shalt  }
0x52: {  	_ =	shalt  }
0x53: {  	_ =	shalt  }
0x54: {  	_ =	shalt  }
0x55: {  	_ =	shalt  }
0x56: {  	_ =	shalt  }
0x57: {  	_ =	shalt  }
0x58: {  	_ =	shalt  }
0x59: {  	_ =	shalt  }
0x5a: {  	_ =	shalt  }
0x5b: {  	_ =	shalt  }
0x5c: {  	_ =	shalt  }
0x5d: {  	_ =	shalt  }
0x5e: {  	_ =	shalt  }
0x5f: {  	_ =	shalt  }
0x60: {  	_ =	shalt  }
0x61: {  	_ =	shalt  }
0x62: {  	_ =	shalt  }
0x63: {  	_ =	shalt  }
0x64: {  	_ =	shalt  }
0x65: {  	_ =	shalt  }
0x66: {  	_ =	shalt  }
0x67: {  	_ =	shalt  }
0x68: {  	_ =	shalt  }
0x69: {  	_ =	shalt  }
0x6a: {  	_ =	shalt  }
0x6b: {  	_ =	shalt  }
0x6c: {  	_ =	shalt  }
0x6d: {  	_ =	shalt  }
0x6e: {  	_ =	shalt  }
0x6f: {  	_ =	shalt  }
0x70: {  	_ =	shalt  }
0x71: {  	_ =	shalt  }
0x72: {  	_ =	shalt  }
0x73: {  	_ =	shalt  }
0x74: {  	_ =	shalt  }
0x75: {  	_ =	shalt  }
0x76: {  	_ =	shalt  }
0x77: {  	_ =	shalt  }
0x78: {  	_ =	shalt  }
0x79: {  	_ =	shalt  }
0x7a: {  	_ =	shalt  }
0x7b: {  	_ =	shalt  }
0x7c: {  	_ =	shalt  }
0x7d: {  	_ =	shalt  }
0x7e: {  	_ =	shalt  }
0x7f: {  	_ =	shalt  }
0x80: {  	_ =	shalt  }
0x81: {  	_ =	shalt  }
0x82: {  	_ =	shalt  }
0x83: {  	_ =	shalt  }
0x84: {  	_ =	shalt  }
0x85: {  	_ =	shalt  }
0x86: {  	_ =	shalt  }
0x87: {  	_ =	shalt  }
.Lfunc_end0:
.L_simem_size_0:
called_computation_lowered:
.L_overlay_start_0:
0x88: {  	s0 =	sld [smem:$0x3FD9]  }
0x89: {  	s1 =	sld [smem:$0x3FFE];
	_ =	sdelay $0x3  }
0x8a: {  	s0 =	sadd.s32 s1, s0  }
0x8b: {  	[smem:$0x3FC7] =	sst s0  }
0x8c: {  	_ = 	snop  }
0x8d: {  	s2 =	sld [smem:$0x3FC9]  }
0x8e: {  	s0 =	sld [smem:$0x3FD0];
	(tm) =	ssettm $0x1  }
0x8f: {  	s8 =	sld [smem:$0x3FFB];
	_ =	sdelay $0x3  }
0x90: {  	_ =	strace s8  }
0x91: {  	s1 =	sld [smem:$0x3FFC];
	_ =	sdelay $0x3  }
0x92: {  	_ =	strace s1  }
0x93: {  	s1 =	sld [smem:$0x3FFD];
	_ =	sdelay $0x3  }
0x94: {  	_ =	strace s1  }
0x95: {  	s9 =	simm.s32 $0x1B8B;
	_ =	strace $0x8FFFFFFF  }
0x96: {  	_ =	swait.ge [sflag:s9], $0x1  }
0x97: {  	[sflag:s9] =	ssyncset.done $0x0  }
0x98: {  	s10 =	simm.s32 $0x1B8E;
	[sflag:s9] =	ssyncadd.s32 $0xFFFFFFFF  }
0x99: {  	[smem:$0x3FD2] =	sst s10  }
0x9a: {  	s3 =	simm.s32 $0x10;
	s1 =	simm.s32 $0x9;
	_ =	strace $0x80000046  }
0x9b: {  	[smem:s3], [sflag:s1] =	dma.local [hbm:s2], $0x10  }
0x9c: {  	_ =	swait.ge [sflag:s1], $0x10  }
0x9d: {  	[sflag:s1] =	ssyncset.done $0x0  }
0x9e: {  	[sflag:s1] =	ssyncadd.s32 $0xFFFFFFF0  }
0x9f: {  	s2 =	sld [smem:$0x16];
	_ =	sdelay $0x3  }
0xa0: {  	s5 =	sadd.f32 $-1.000000000e+00, s2  }
0xa1: {  	s6 =	sadd.f32 $-2.000000000e+00, s2  }
0xa2: {  	s7 =	sadd.f32 $-3.000000000e+00, s2  }
0xa3: {  	s17 =	sadd.f32 $-4.000000000e+00, s2  }
0xa4: {  	s20 =	sadd.f32 $-5.000000000e+00, s2  }
0xa5: {  	s23 =	sadd.f32 $-6.000000000e+00, s2  }
0xa6: {  	s26 =	sadd.f32 $-7.000000000e+00, s2  }
0xa7: {  	s30 =	sadd.f32 $-8.000000000e+00, s2  }
0xa8: {  	s11 =	sand.u32 $0x7FFFFFFF, s2;
	s8 =	sadd.f32 $-9.000000000e+00, s2  }
0xa9: {  	s4 =	sadd.f32 $-1.000000000e+00, s11  }
0xaa: {  	p1 =	slt.f32 s11, $2.500000000e-01;
	s11 =	sadd.f32 $-1.000000000e+01, s2  }
0xab: {  	s18 =	sand.u32 $0x7FFFFFFF, s17;
	s17 =	sadd.f32 $-1.200000000e+01, s2  }
0xac: {  	s21 =	sand.u32 $0x7FFFFFFF, s20;
	s20 =	sadd.f32 $-1.300000000e+01, s2  }
0xad: {  	s24 =	sand.u32 $0x7FFFFFFF, s23;
	s23 =	sadd.f32 $-1.400000000e+01, s2  }
0xae: {  	s28 =	sand.u32 $0x7FFFFFFF, s26;
	s26 =	sadd.f32 $-1.500000000e+01, s2  }
0xaf: {  	s31 =	sand.u32 $0x7FFFFFFF, s30;
	s30 =	sadd.f32 $-1.600000000e+01, s2  }
0xb0: {  	s5 =	sand.u32 $0x7FFFFFFF, s5;
	s9 =	sand.u32 $0x7FFFFFFF, s8;
	s8 =	sadd.f32 $-1.700000000e+01, s2  }
0xb1: {  	s6 =	sand.u32 $0x7FFFFFFF, s6;
	s12 =	sadd.f32 $-1.000000000e+00, s5  }
0xb2: {  	s15 =	sand.u32 $0x7FFFFFFF, s7;
	s13 =	sadd.f32 $-1.000000000e+00, s6  }
0xb3: {  	s16 =	sadd.f32 $-1.000000000e+00, s15  }
0xb4: {  	s19 =	sadd.f32 $-1.000000000e+00, s18  }
0xb5: {  	s22 =	sadd.f32 $-1.000000000e+00, s21  }
0xb6: {  	s25 =	sadd.f32 $-1.000000000e+00, s24  }
0xb7: {  	s29 =	sadd.f32 $-1.000000000e+00, s28  }
0xb8: {  	s4 =	sand.u32 $0x7FFFFFFF, s4;
	s7 =	sadd.f32 $-1.000000000e+00, s31  }
0xb9: {  	s3 =	simm.f32 $4.539786820e-05;
	s10 =	sadd.f32 $-1.000000000e+00, s9;
	p0 =	slt.f32 s4, $2.500000000e-01  }
0xba: {  	s4 =	sand.u32 $0x7FFFFFFF, s12;
	s14 =	sand.u32 $0x7FFFFFFF, s13;
	s12 =	sand.u32 $0x7FFFFFFF, s11  }
0xbb: {  	s11 =	sadd.f32 $-1.800000000e+01, s2;
	s3 =	simm.s32 @!p0 $0x29D2B706;
	p0 =	slt.f32 s4, $2.500000000e-01  }
0xbc: {  	s4 =	simm.f32 $4.539786820e-05;
	s3 =	simm.s32 @p1 $0x3F7FFA0D  }
0xbd: {  	s13 =	sadd.f32 $-1.000000000e+00, s12;
	p1 =	slt.f32 s5, $2.500000000e-01;
	s5 =	simm.f32 $4.539786820e-05  }
0xbe: {  	[smem:$0x90] =	sst s3;
	s5 =	simm.s32 @!p0 $0x29D2B706;
	p0 =	slt.f32 s14, $2.500000000e-01  }
0xbf: {  	s3 =	sand.u32 $0x7FFFFFFF, s16;
	s5 =	simm.s32 @p1 $0x3F7FFA0D  }
0xc0: {  	s14 =	sadd.f32 $-1.100000000e+01, s2;
	p1 =	slt.f32 s6, $2.500000000e-01;
	s6 =	simm.f32 $4.539786820e-05  }
0xc1: {  	[smem:$0x91] =	sst s5;
	s6 =	simm.s32 @!p0 $0x29D2B706;
	p0 =	slt.f32 s3, $2.500000000e-01  }
0xc2: {  	s3 =	sand.u32 $0x7FFFFFFF, s19;
	s6 =	simm.s32 @p1 $0x3F7FFA0D  }
0xc3: {  	p1 =	slt.f32 s15, $2.500000000e-01;
	s15 =	sand.u32 $0x7FFFFFFF, s14;
	s14 =	sadd.f32 $-1.900000000e+01, s2  }
0xc4: {  	[smem:$0x92] =	sst s6;
	s4 =	simm.s32 @!p0 $0x29D2B706;
	p0 =	slt.f32 s3, $2.500000000e-01  }
0xc5: {  	s5 =	simm.f32 $4.539786820e-05;
	s3 =	sand.u32 $0x7FFFFFFF, s22;
	s6 =	simm.f32 $4.539786820e-05  }
0xc6: {  	s16 =	sadd.f32 $-1.000000000e+00, s15;
	s4 =	simm.s32 @p1 $0x3F7FFA0D  }
0xc7: {  	p1 =	slt.f32 s18, $2.500000000e-01;
	s18 =	sand.u32 $0x7FFFFFFF, s17;
	s17 =	sadd.f32 $-2.000000000e+01, s2  }
0xc8: {  	[smem:$0x93] =	sst s4;
	s5 =	simm.s32 @!p0 $0x29D2B706;
	p0 =	slt.f32 s3, $2.500000000e-01  }
0xc9: {  	s3 =	sand.u32 $0x7FFFFFFF, s25;
	s5 =	simm.s32 @p1 $0x3F7FFA0D  }
0xca: {  	s19 =	sadd.f32 $-1.000000000e+00, s18;
	p1 =	slt.f32 s21, $2.500000000e-01;
	s21 =	sand.u32 $0x7FFFFFFF, s20  }
0xcb: {  	s20 =	sadd.f32 $-2.100000000e+01, s2;
	s6 =	simm.s32 @!p0 $0x29D2B706  }
0xcc: {  	[smem:$0x94] =	sst s5;
	p0 =	slt.f32 s3, $2.500000000e-01;
	s3 =	sand.u32 $0x7FFFFFFF, s29  }
0xcd: {  	s4 =	simm.f32 $4.539786820e-05;
	s5 =	simm.f32 $4.539786820e-05;
	s6 =	simm.s32 @p1 $0x3F7FFA0D  }
0xce: {  	s22 =	sadd.f32 $-1.000000000e+00, s21;
	p1 =	slt.f32 s24, $2.500000000e-01;
	s24 =	sand.u32 $0x7FFFFFFF, s23  }
0xcf: {  	s23 =	sadd.f32 $-2.200000000e+01, s2;
	s4 =	simm.s32 @!p0 $0x29D2B706  }
0xd0: {  	[smem:$0x95] =	sst s6;
	p0 =	slt.f32 s3, $2.500000000e-01;
	s3 =	sand.u32 $0x7FFFFFFF, s7  }
0xd1: {  	s25 =	sadd.f32 $-1.000000000e+00, s24;
	s4 =	simm.s32 @p1 $0x3F7FFA0D  }
0xd2: {  	p1 =	slt.f32 s28, $2.500000000e-01;
	s28 =	sand.u32 $0x7FFFFFFF, s26;
	s26 =	sadd.f32 $-2.300000000e+01, s2  }
0xd3: {  	[smem:$0x96] =	sst s4;
	s5 =	simm.s32 @!p0 $0x29D2B706;
	p0 =	slt.f32 s3, $2.500000000e-01  }
0xd4: {  	s6 =	simm.f32 $4.539786820e-05;
	s3 =	sand.u32 $0x7FFFFFFF, s10;
	s4 =	simm.f32 $4.539786820e-05  }
0xd5: {  	s29 =	sadd.f32 $-1.000000000e+00, s28;
	s5 =	simm.s32 @p1 $0x3F7FFA0D  }
0xd6: {  	p1 =	slt.f32 s31, $2.500000000e-01;
	s31 =	sand.u32 $0x7FFFFFFF, s30;
	s30 =	sadd.f32 $-2.400000000e+01, s2  }
0xd7: {  	[smem:$0x97] =	sst s5;
	s6 =	simm.s32 @!p0 $0x29D2B706;
	p0 =	slt.f32 s3, $2.500000000e-01  }
0xd8: {  	s7 =	sadd.f32 $-1.000000000e+00, s31;
	s6 =	simm.s32 @p1 $0x3F7FFA0D;
	p1 =	slt.f32 s9, $2.500000000e-01  }
0xd9: {  	s3 =	sand.u32 $0x7FFFFFFF, s13;
	s9 =	sand.u32 $0x7FFFFFFF, s8;
	s4 =	simm.s32 @!p0 $0x29D2B706  }
0xda: {  	[smem:$0x98] =	sst s6;
	p0 =	slt.f32 s3, $2.500000000e-01;
	s3 =	sand.u32 $0x7FFFFFFF, s16  }
0xdb: {  	s5 =	simm.f32 $4.539786820e-05;
	s6 =	simm.f32 $4.539786820e-05;
	s4 =	simm.s32 @p1 $0x3F7FFA0D  }
0xdc: {  	s10 =	sadd.f32 $-1.000000000e+00, s9;
	p1 =	slt.f32 s12, $2.500000000e-01;
	s12 =	sand.u32 $0x7FFFFFFF, s11  }
0xdd: {  	[smem:$0x99] =	sst s4;
	s5 =	simm.s32 @!p0 $0x29D2B706;
	p0 =	slt.f32 s3, $2.500000000e-01  }
0xde: {  	s13 =	sadd.f32 $-1.000000000e+00, s12;
	s5 =	simm.s32 @p1 $0x3F7FFA0D;
	p1 =	slt.f32 s15, $2.500000000e-01  }
0xdf: {  	s3 =	sand.u32 $0x7FFFFFFF, s19;
	s15 =	sand.u32 $0x7FFFFFFF, s14;
	s6 =	simm.s32 @!p0 $0x29D2B706  }
0xe0: {  	[smem:$0x9A] =	sst s5;
	p0 =	slt.f32 s3, $2.500000000e-01;
	s3 =	sand.u32 $0x7FFFFFFF, s22  }
0xe1: {  	s4 =	simm.f32 $4.539786820e-05;
	s5 =	simm.f32 $4.539786820e-05;
	s6 =	simm.s32 @p1 $0x3F7FFA0D  }
0xe2: {  	s16 =	sadd.f32 $-1.000000000e+00, s15;
	p1 =	slt.f32 s18, $2.500000000e-01;
	s18 =	sand.u32 $0x7FFFFFFF, s17  }
0xe3: {  	[smem:$0x9B] =	sst s6;
	s4 =	simm.s32 @!p0 $0x29D2B706;
	p0 =	slt.f32 s3, $2.500000000e-01  }
0xe4: {  	s19 =	sadd.f32 $-1.000000000e+00, s18;
	s4 =	simm.s32 @p1 $0x3F7FFA0D;
	p1 =	slt.f32 s21, $2.500000000e-01  }
0xe5: {  	s3 =	sand.u32 $0x7FFFFFFF, s25;
	s21 =	sand.u32 $0x7FFFFFFF, s20;
	s5 =	simm.s32 @!p0 $0x29D2B706  }
0xe6: {  	[smem:$0x9C] =	sst s4;
	p0 =	slt.f32 s3, $2.500000000e-01;
	s3 =	sand.u32 $0x7FFFFFFF, s29  }
0xe7: {  	s6 =	simm.f32 $4.539786820e-05;
	s4 =	simm.f32 $4.539786820e-05;
	s5 =	simm.s32 @p1 $0x3F7FFA0D  }
0xe8: {  	s22 =	sadd.f32 $-1.000000000e+00, s21;
	p1 =	slt.f32 s24, $2.500000000e-01;
	s24 =	sand.u32 $0x7FFFFFFF, s23  }
0xe9: {  	[smem:$0x9D] =	sst s5;
	s6 =	simm.s32 @!p0 $0x29D2B706;
	p0 =	slt.f32 s3, $2.500000000e-01  }
0xea: {  	s25 =	sadd.f32 $-1.000000000e+00, s24;
	s6 =	simm.s32 @p1 $0x3F7FFA0D;
	p1 =	slt.f32 s28, $2.500000000e-01  }
0xeb: {  	s3 =	sand.u32 $0x7FFFFFFF, s7;
	s28 =	sand.u32 $0x7FFFFFFF, s26;
	s4 =	simm.s32 @!p0 $0x29D2B706  }
0xec: {  	[smem:$0x9E] =	sst s6;
	p0 =	slt.f32 s3, $2.500000000e-01;
	s3 =	sand.u32 $0x7FFFFFFF, s10  }
0xed: {  	s5 =	simm.f32 $4.539786820e-05;
	s6 =	simm.f32 $4.539786820e-05;
	s4 =	simm.s32 @p1 $0x3F7FFA0D  }
0xee: {  	s29 =	sadd.f32 $-1.000000000e+00, s28;
	p1 =	slt.f32 s31, $2.500000000e-01;
	s31 =	sand.u32 $0x7FFFFFFF, s30  }
0xef: {  	[smem:$0x9F] =	sst s4;
	s5 =	simm.s32 @!p0 $0x29D2B706  }
0xf0: {  	p0 =	slt.f32 s3, $2.500000000e-01;
	s3 =	sand.u32 $0x7FFFFFFF, s13;
	s8 =	sadd.f32 $-1.000000000e+00, s31  }
0xf1: {  	s5 =	simm.s32 @p1 $0x3F7FFA0D;
	p1 =	slt.f32 s9, $2.500000000e-01;
	s9 =	sadd.f32 $-2.500000000e+01, s2  }
0xf2: {  	[smem:$0xA0] =	sst s5;
	s6 =	simm.s32 @!p0 $0x29D2B706;
	p0 =	slt.f32 s3, $2.500000000e-01  }
0xf3: {  	s4 =	simm.f32 $4.539786820e-05;
	s3 =	sand.u32 $0x7FFFFFFF, s16;
	s5 =	simm.f32 $4.539786820e-05  }
0xf4: {  	s6 =	simm.s32 @p1 $0x3F7FFA0D;
	p1 =	slt.f32 s12, $2.500000000e-01;
	s12 =	sadd.f32 $-2.600000000e+01, s2  }
0xf5: {  	[smem:$0xA1] =	sst s6;
	s4 =	simm.s32 @!p0 $0x29D2B706;
	p0 =	slt.f32 s3, $2.500000000e-01  }
0xf6: {  	s10 =	sand.u32 $0x7FFFFFFF, s9;
	s3 =	sand.u32 $0x7FFFFFFF, s19;
	s6 =	simm.f32 $4.539786820e-05  }
0xf7: {  	s11 =	sadd.f32 $-1.000000000e+00, s10;
	s4 =	simm.s32 @p1 $0x3F7FFA0D  }
0xf8: {  	p1 =	slt.f32 s15, $2.500000000e-01;
	s13 =	sand.u32 $0x7FFFFFFF, s12;
	s15 =	sadd.f32 $-2.700000000e+01, s2  }
0xf9: {  	[smem:$0xA2] =	sst s4;
	s5 =	simm.s32 @!p0 $0x29D2B706  }
0xfa: {  	p0 =	slt.f32 s3, $2.500000000e-01;
	s4 =	simm.f32 $4.539786820e-05;
	s14 =	sadd.f32 $-1.000000000e+00, s13  }
0xfb: {  	s5 =	simm.s32 @p1 $0x3F7FFA0D;
	p1 =	slt.f32 s18, $2.500000000e-01;
	s18 =	sadd.f32 $-2.800000000e+01, s2  }
0xfc: {  	s3 =	sand.u32 $0x7FFFFFFF, s22;
	s16 =	sand.u32 $0x7FFFFFFF, s15;
	[smem:$0xA3] =	sst s5  }
0xfd: {  	s6 =	simm.s32 @!p0 $0x29D2B706;
	p0 =	slt.f32 s3, $2.500000000e-01;
	s17 =	sadd.f32 $-1.000000000e+00, s16  }
0xfe: {  	s6 =	simm.s32 @p1 $0x3F7FFA0D;
	p1 =	slt.f32 s21, $2.500000000e-01;
	s21 =	sadd.f32 $-2.900000000e+01, s2  }
0xff: {  	s3 =	sand.u32 $0x7FFFFFFF, s25;
	s19 =	sand.u32 $0x7FFFFFFF, s18;
	[smem:$0xA4] =	sst s6  }
0x100: {  	s4 =	simm.s32 @!p0 $0x29D2B706;
	p0 =	slt.f32 s3, $2.500000000e-01;
	s20 =	sadd.f32 $-1.000000000e+00, s19  }
0x101: {  	s4 =	simm.s32 @p1 $0x3F7FFA0D;
	p1 =	slt.f32 s24, $2.500000000e-01;
	s24 =	sadd.f32 $-3.000000000e+01, s2  }
0x102: {  	s3 =	sand.u32 $0x7FFFFFFF, s29;
	s22 =	sand.u32 $0x7FFFFFFF, s21;
	s21 =	sadd.f32 $-3.700000000e+01, s2  }
0x103: {  	s5 =	simm.f32 $4.539786820e-05;
	s6 =	simm.f32 $4.539786820e-05;
	[smem:$0xA5] =	sst s4  }
0x104: {  	s5 =	simm.s32 @!p0 $0x29D2B706;
	p0 =	slt.f32 s3, $2.500000000e-01;
	s23 =	sadd.f32 $-1.000000000e+00, s22  }
0x105: {  	s3 =	sand.u32 $0x7FFFFFFF, s8;
	s5 =	simm.s32 @p1 $0x3F7FFA0D;
	s25 =	sand.u32 $0x7FFFFFFF, s24  }
0x106: {  	p1 =	slt.f32 s28, $2.500000000e-01;
	s28 =	sadd.f32 $-3.100000000e+01, s2;
	s6 =	simm.s32 @!p0 $0x29D2B706  }
0x107: {  	[smem:$0xA6] =	sst s5;
	p0 =	slt.f32 s3, $2.500000000e-01;
	s3 =	sand.u32 $0x7FFFFFFF, s11  }
0x108: {  	s4 =	simm.f32 $4.539786820e-05;
	s5 =	simm.f32 $4.539786820e-05;
	s26 =	sadd.f32 $-1.000000000e+00, s25  }
0x109: {  	s6 =	simm.s32 @p1 $0x3F7FFA0D;
	p1 =	slt.f32 s31, $2.500000000e-01;
	s31 =	sadd.f32 $-3.200000000e+01, s2  }
0x10a: {  	[smem:$0xA7] =	sst s6;
	s4 =	simm.s32 @!p0 $0x29D2B706;
	p0 =	slt.f32 s3, $2.500000000e-01  }
0x10b: {  	s29 =	sand.u32 $0x7FFFFFFF, s28;
	s3 =	sand.u32 $0x7FFFFFFF, s14;
	s6 =	simm.f32 $4.539786820e-05  }
0x10c: {  	s30 =	sadd.f32 $-1.000000000e+00, s29;
	s4 =	simm.s32 @p1 $0x3F7FFA0D  }
0x10d: {  	p1 =	slt.f32 s10, $2.500000000e-01;
	s8 =	sand.u32 $0x7FFFFFFF, s31;
	s10 =	sadd.f32 $-3.300000000e+01, s2  }
0x10e: {  	[smem:$0xA8] =	sst s4;
	s5 =	simm.s32 @!p0 $0x29D2B706  }
0x10f: {  	p0 =	slt.f32 s3, $2.500000000e-01;
	s4 =	simm.f32 $4.539786820e-05;
	s9 =	sadd.f32 $-1.000000000e+00, s8  }
0x110: {  	s3 =	sand.u32 $0x7FFFFFFF, s17;
	s5 =	simm.s32 @p1 $0x3F7FFA0D;
	s11 =	sand.u32 $0x7FFFFFFF, s10  }
0x111: {  	p1 =	slt.f32 s13, $2.500000000e-01;
	s13 =	sadd.f32 $-3.400000000e+01, s2;
	s6 =	simm.s32 @!p0 $0x29D2B706  }
0x112: {  	[smem:$0xA9] =	sst s5;
	p0 =	slt.f32 s3, $2.500000000e-01;
	s5 =	simm.f32 $4.539786820e-05  }
0x113: {  	s12 =	sadd.f32 $-1.000000000e+00, s11;
	s6 =	simm.s32 @p1 $0x3F7FFA0D;
	p1 =	slt.f32 s16, $2.500000000e-01  }
0x114: {  	s3 =	sand.u32 $0x7FFFFFFF, s20;
	s14 =	sand.u32 $0x7FFFFFFF, s13;
	s4 =	simm.s32 @!p0 $0x29D2B706  }
0x115: {  	s16 =	sadd.f32 $-3.500000000e+01, s2;
	p0 =	slt.f32 s3, $2.500000000e-01;
	s3 =	sand.u32 $0x7FFFFFFF, s23  }
0x116: {  	[smem:$0xAA] =	sst s6;
	s4 =	simm.s32 @p1 $0x3F7FFA0D;
	p1 =	slt.f32 s19, $2.500000000e-01  }
0x117: {  	[smem:$0xAB] =	sst s4;
	s5 =	simm.s32 @!p0 $0x29D2B706;
	p0 =	slt.f32 s3, $2.500000000e-01  }
0x118: {  	s6 =	simm.f32 $4.539786820e-05;
	s3 =	sand.u32 $0x7FFFFFFF, s26;
	s4 =	simm.f32 $4.539786820e-05  }
0x119: {  	s15 =	sadd.f32 $-1.000000000e+00, s14;
	s5 =	simm.s32 @p1 $0x3F7FFA0D;
	p1 =	slt.f32 s22, $2.500000000e-01  }
0x11a: {  	s19 =	sadd.f32 $-3.600000000e+01, s2;
	s6 =	simm.s32 @!p0 $0x29D2B706;
	p0 =	slt.f32 s3, $2.500000000e-01  }
0x11b: {  	s23 =	sand.u32 $0x7FFFFFFF, s21;
	s3 =	sand.u32 $0x7FFFFFFF, s30;
	s6 =	simm.s32 @p1 $0x3F7FFA0D  }
0x11c: {  	[smem:$0xAC] =	sst s5;
	p1 =	slt.f32 s25, $2.500000000e-01;
	s4 =	simm.s32 @!p0 $0x29D2B706  }
0x11d: {  	[smem:$0xAD] =	sst s6;
	p0 =	slt.f32 s3, $2.500000000e-01;
	s3 =	sand.u32 $0x7FFFFFFF, s9  }
0x11e: {  	s5 =	simm.f32 $4.539786820e-05;
	s6 =	simm.f32 $4.539786820e-05;
	s4 =	simm.s32 @p1 $0x3F7FFA0D  }
0x11f: {  	s2 =	sadd.f32 $-3.800000000e+01, s2;
	p1 =	slt.f32 s29, $2.500000000e-01;
	s5 =	simm.s32 @!p0 $0x29D2B706  }
0x120: {  	s20 =	sand.u32 $0x7FFFFFFF, s19;
	p0 =	slt.f32 s3, $2.500000000e-01;
	s3 =	sand.u32 $0x7FFFFFFF, s12  }
0x121: {  	[smem:$0xAE] =	sst s4;
	s5 =	simm.s32 @p1 $0x3F7FFA0D;
	p1 =	slt.f32 s8, $2.500000000e-01  }
0x122: {  	[smem:$0xAF] =	sst s5;
	s6 =	simm.s32 @!p0 $0x29D2B706;
	p0 =	slt.f32 s3, $2.500000000e-01  }
0x123: {  	s2 =	sand.u32 $0x7FFFFFFF, s2;
	s3 =	sand.u32 $0x7FFFFFFF, s15;
	s6 =	simm.s32 @p1 $0x3F7FFA0D  }
0x124: {  	[smem:$0xB0] =	sst s6;
	s6 =	simm.f32 $4.539786820e-05  }
0x125: {  	s5 =	sadd.f32 $-1.000000000e+00, s20;
	s6 =	simm.s32 @!p0 $0x29D2B706  }
0x126: {  	p1 =	slt.f32 s11, $2.500000000e-01;
	p0 =	slt.f32 s3, $2.500000000e-01;
	s3 =	sand.u32 $0x7FFFFFFF, s16  }
0x127: {  	s4 =	simm.f32 $4.539786820e-05;
	s17 =	sadd.f32 $-1.000000000e+00, s3  }
0x128: {  	s6 =	simm.s32 @p1 $0x3F7FFA0D;
	p1 =	slt.f32 s14, $2.500000000e-01  }
0x129: {  	s22 =	sand.u32 $0x7FFFFFFF, s5;
	s4 =	simm.s32 @!p0 $0x29D2B706;
	s18 =	sand.u32 $0x7FFFFFFF, s17  }
0x12a: {  	s24 =	sadd.f32 $-1.000000000e+00, s23;
	s4 =	simm.s32 @p1 $0x3F7FFA0D;
	p1 =	slt.f32 s18, $2.500000000e-01  }
0x12b: {  	s25 =	sadd.f32 $-1.000000000e+00, s2;
	p0 =	slt.f32 s3, $2.500000000e-01;
	s3 =	simm.f32 $4.539786820e-05  }
0x12c: {  	[smem:$0xB1] =	sst s6;
	s3 =	simm.s32 @!p1 $0x29D2B706  }
0x12d: {  	[smem:$0xB2] =	sst s4;
	p1 =	slt.f32 s22, $2.500000000e-01;
	s3 =	simm.s32 @p0 $0x3F7FFA0D  }
0x12e: {  	s5 =	simm.f32 $4.539786820e-05;
	p0 =	slt.f32 s20, $2.500000000e-01;
	[smem:$0xB3] =	sst s3  }
0x12f: {  	s4 =	sand.u32 $0x7FFFFFFF, s25;
	s3 =	sand.u32 $0x7FFFFFFF, s24;
	s5 =	simm.s32 @!p1 $0x29D2B706  }
0x130: {  	p2 =	slt.f32 s23, $2.500000000e-01;
	p1 =	slt.f32 s3, $2.500000000e-01;
	s5 =	simm.s32 @p0 $0x3F7FFA0D  }
0x131: {  	s3 =	simm.f32 $4.539786820e-05;
	p0 =	slt.f32 s4, $2.500000000e-01;
	s4 =	simm.f32 $4.539786820e-05  }
0x132: {  	[smem:$0xB4] =	sst s5;
	s3 =	simm.s32 @!p1 $0x29D2B706;
	p1 =	slt.f32 s2, $2.500000000e-01  }
0x133: {  	s4 =	simm.s32 @!p0 $0x29D2B706;
	s3 =	simm.s32 @p2 $0x3F7FFA0D  }
0x134: {  	[smem:$0xB5] =	sst s3;
	s4 =	simm.s32 @p1 $0x3F7FFA0D  }
0x135: {  	s26 =	simm.s32 $0x90;
	[smem:$0xB6] =	sst s4  }
0x136: {  	[hbm:s0], [sflag:s1] =	dma.local [smem:s26], $0x10  }
0x137: {  	_ =	swait.ge [sflag:s1], $0x10  }
0x138: {  	[sflag:s1] =	ssyncset.done $0x0  }
0x139: {  	[sflag:s1] =	ssyncadd.s32 $0xFFFFFFF0  }
0x13a: {  	_ =	strace $0x90000046  }
0x13b: {  	_ =	sfence  }
0x13c: {  	s28 =	sld [smem:$0x0];
	_ =	sdelay $0x1  }
0x13d: {  	s29 =	srdreg.scid  }
0x13e: {  	s30 =	sshll.u32 s29, $0xD;
	s31 =	sshrl.u32 s29, $0x2  }
0x13f: {  	s2 =	sand.u32 $0x4000, s30;
	s1 =	sand.u32 $0x1, s29;
	s0 =	sadd.s32 s31, s28  }
0x140: {  	s1 =	sor.u32 s2, s1;
	s0 =	sshll.u32 s0, $0x11  }
0x141: {  	s0 =	sor.u32 s0, s1  }
0x142: {  	s0 =	sadd.s32 $0x8F2B, s0;
	(pc) =	sbr.abs _section_cstart, $3  }
0x143: {  	[sflag:s0] =	ssyncadd.remote.s32 $0x1  }
0x144: {  	_ =	strace $0x9FFFFFFF  }
0x145: {  	(tm) =	ssettm $0x7FFFFFFF  }

</sc_bundles>
